<compile_context>
chip_gen: v7x
topology: tpu7x:2x2x1
jax: 0.10.2.dev20260603
libtpu: 0.0.44.dev20260713+nightly
codegen_flags: <defaults>
</compile_context>

<pallas_src>
import jax
import jax.numpy as jnp
from jax import lax
from jax.experimental import pallas as pl
from jax.experimental.pallas import tpu as pltpu
from jax.experimental.pallas import tpu_sc as plsc

_P = 4194304
_NW = 32
_PW = _P // _NW
_CH = 16384
_NCH = _PW // _CH
_NB = 16384
_UNROLL = 16
_K = 4096.0


def _sc_body(logits_hbm, labels_hbm, out_hbm,
             la0, la1, ga0, ga1, hfc, sem0, sem1):
    wid = lax.axis_index("s") * 2 + lax.axis_index("c")
    base = wid * _PW
    zero16 = jnp.zeros((16,), jnp.float32)

    bufs = ((la0, ga0, sem0), (la1, ga1, sem1))

    def start(ci, lb, gb, sem):
        pltpu.async_copy(logits_hbm.at[pl.ds(base + ci * _CH, _CH)], lb, sem)
        pltpu.async_copy(labels_hbm.at[pl.ds(base + ci * _CH, _CH)], gb, sem)

    start(0, *bufs[0])

    @plsc.parallel_loop(0, 2 * _NB, 16, unroll=8)
    def zinit(off):
        hfc[pl.ds(off, 16)] = zero16

    def outer(g2, carry):
        for b in (0, 1):
            ci = g2 * 2 + b
            lb, gb, sem = bufs[b]
            nlb, ngb, nsem = bufs[1 - b]

            @pl.when(ci + 1 < _NCH)
            def _():
                start(ci + 1, nlb, ngb, nsem)

            pltpu.make_async_copy(logits_hbm.at[pl.ds(0, _CH)], lb, sem).wait()
            pltpu.make_async_copy(labels_hbm.at[pl.ds(0, _CH)], gb, sem).wait()

            @plsc.parallel_loop(0, _CH, 16, unroll=_UNROLL)
            def inner(off):
                z = lb[pl.ds(off, 16)]
                gi = gb[pl.ds(off, 16)]
                gf = gi.astype(jnp.float32)
                zs = z * (gf + gf - 1.0)
                e = 1.0 - zs
                v = jnp.where(e > 0.0, e + (1.0 + _K), jnp.exp(e) + _K)
                binf = 8192.0 + 1024.0 * zs
                idx = binf.astype(jnp.int32) + gi * _NB
                plsc.addupdate_scatter(hfc, [idx], v)

        return carry

    lax.fori_loop(0, _NCH // 2, outer, 0)
    pltpu.sync_copy(hfc, out_hbm.at[wid])


_sc_hist = pl.kernel(
    _sc_body,
    out_type=jax.ShapeDtypeStruct((_NW, 2 * _NB), jnp.float32),
    mesh=plsc.VectorSubcoreMesh(core_axis_name="c", subcore_axis_name="s"),
    compiler_params=pltpu.CompilerParams(needs_layout_passes=False),
    scratch_types=[
        pltpu.VMEM((_CH,), jnp.float32),
        pltpu.VMEM((_CH,), jnp.float32),
        pltpu.VMEM((_CH,), jnp.int32),
        pltpu.VMEM((_CH,), jnp.int32),
        pltpu.VMEM((2 * _NB,), jnp.float32),
        pltpu.SemaphoreType.DMA,
        pltpu.SemaphoreType.DMA,
    ],
)


def _tc_body(h_ref, o_ref):
    v = h_ref[...]
    cnt = jnp.floor(v * (1.0 / _K))
    s = v - cnt * _K
    n = jnp.sum(cnt[:, 0], axis=0)
    m = jnp.sum(cnt[:, 1], axis=0)
    sfx = jnp.sum(s[:, 0], axis=0)
    sfy = jnp.sum(s[:, 1], axis=0)

    ri = lax.broadcasted_iota(jnp.int32, (128, 128), 0)
    ci = lax.broadcasted_iota(jnp.int32, (128, 128), 1)
    upper = (ri < ci).astype(jnp.float32)
    lower = (ci < ri).astype(jnp.float32)
    hi = jax.lax.Precision.HIGHEST

    def excl_prefix(x):
        within = jnp.dot(x, upper, precision=hi)
        rowtot = jnp.sum(x, axis=1, keepdims=True)
        rows = jnp.dot(lower, rowtot, precision=hi)
        return rows + within

    B = excl_prefix(n)
    C = excl_prefix(m)
    G = jnp.sum(m)
    den0 = G + B
    den1 = den0 + n
    post = sfy / jnp.maximum(den1, 1.0)
    neg = sfx * (G - C) / jnp.maximum(den0 * den1, 1.0)
    o_ref[...] = jnp.sum(post + neg).reshape(1, 1)


def kernel(logits, labels):
    labels_i = labels.astype(jnp.int32)
    hist = _sc_hist(logits, labels_i)
    h4 = hist.reshape(_NW, 2, 128, 128)
    loss = pl.pallas_call(
        _tc_body,
        out_shape=jax.ShapeDtypeStruct((1, 1), jnp.float32),
    )(h4)
    return loss[0, 0]

# --- scband reference (transcript-rebuilt; emitter-appended) ---
"""Pipeline reference for scband-lovasz-loss-42417097016560 (READ-ONLY COPY).

The authoritative reference and input builder live on the scoring server;
editing this copy changes nothing except your own understanding.
"""

import jax, jax.numpy as jnp
import numpy as np

P = 4194304

def setup_inputs(seed: int = 0) -> dict:
    key = jax.random.key(seed)
    k1, k2 = jax.random.split(key)
    logits = jax.random.normal(k1, (P,), dtype=jnp.float32)
    labels = jax.random.randint(k2, (P,), 0, 2).astype(jnp.int64)
    return {"logits": logits, "labels": labels}

def _lovasz_grad(gt_sorted):
    gt_sorted = gt_sorted.astype(jnp.float32)
    gts = jnp.sum(gt_sorted)
    intersection = gts - jnp.cumsum(gt_sorted, axis=0)
    union = gts + jnp.cumsum(1.0 - gt_sorted, axis=0)
    jaccard = 1.0 - intersection / union
    jaccard = jaccard.at[1:].set(jaccard[1:] - jaccard[:-1])
    return jaccard

def reference(logits, labels):
    logits = logits.reshape(-1)
    labels = labels.reshape(-1)
    signs = 2.0 * labels.astype(jnp.float32) - 1.0
    errors = 1.0 - logits * signs
    # descending sort
    perm = jnp.argsort(-errors)
    errors_sorted = errors[perm]
    gt_sorted = labels[perm]
    grad = _lovasz_grad(gt_sorted)
    loss = jnp.dot(jax.nn.elu(errors_sorted) + 1.0, grad)
    return loss

if __name__ == "__main__":
    import jax
    _d = setup_inputs()
    print(jax.jit(kernel)(*tuple(_d.values())))

</pallas_src>

<mosaic_0001>
#map = affine_map<(d0, d1) -> (0)>
#map1 = affine_map<(d0, d1) -> (0, 0)>
module attributes {stable_mosaic.version = 14 : i64} {
  func.func @_sc_body(%arg0: i32, %arg1: i32, %arg2: memref<4194304xf32, #tpu.memory_space<hbm>>, %arg3: memref<4194304xi32, #tpu.memory_space<hbm>>, %arg4: memref<32x32768xf32, #tpu.memory_space<hbm>>, %arg5: memref<16384xf32, #tpu.memory_space<vmem>>, %arg6: memref<16384xf32, #tpu.memory_space<vmem>>, %arg7: memref<16384xi32, #tpu.memory_space<vmem>>, %arg8: memref<16384xi32, #tpu.memory_space<vmem>>, %arg9: memref<32768xf32, #tpu.memory_space<vmem>>, %arg10: memref<!tpu.dma_semaphore, #tpu.memory_space<semaphore_mem>>, %arg11: memref<!tpu.dma_semaphore, #tpu.memory_space<semaphore_mem>>) attributes {dimension_semantics = [#tpu.dimension_semantics<core_parallel>, #tpu.dimension_semantics<subcore_parallel>], iteration_bounds = array<i64: 2, 16>, scalar_prefetch = 0 : i64, scratch_operands = 7 : i64, tpu.core_type = #tpu.core_type<sc_vector_subcore>, window_params = [{transform_indices = #map}, {transform_indices = #map}, {transform_indices = #map1}]} {
    %mul3A = arith.constant 2 : i32
    %mul3A_0 = arith.muli %arg1, %mul3A : i32
    %add3A = arith.addi %mul3A_0, %arg0 : i32
    %mul3A_1 = arith.constant 131072 : i32
    %mul3A_2 = arith.muli %add3A, %mul3A_1 : i32
    %broadcast_in_dim3A = arith.constant 0.000000e+00 : f32
    %broadcast_in_dim3A_3 = vector.broadcast %broadcast_in_dim3A : f32 to vector<16xf32>
    %add3A_4 = arith.constant 0 : i32
    %add3A_5 = arith.addi %mul3A_2, %add3A_4 : i32
    %dma_start3A = tpu.memref_slice %arg2[%add3A_5] : memref<4194304xf32, #tpu.memory_space<hbm>> -> memref<16384xf32, #tpu.memory_space<hbm>>
    %dma_start3A_6 = tpu.memref_slice %arg2[%add3A_5] : memref<4194304xf32, #tpu.memory_space<hbm>> -> memref<16384xf32, #tpu.memory_space<hbm>>
    tpu.enqueue_dma source(%dma_start3A_6 : memref<16384xf32, #tpu.memory_space<hbm>>) target(%arg5 : memref<16384xf32, #tpu.memory_space<vmem>>) target_semaphore(%arg10 : memref<!tpu.dma_semaphore, #tpu.memory_space<semaphore_mem>>)
    %add3A_7 = arith.constant 0 : i32
    %add3A_8 = arith.addi %mul3A_2, %add3A_7 : i32
    %dma_start3A_9 = tpu.memref_slice %arg3[%add3A_8] : memref<4194304xi32, #tpu.memory_space<hbm>> -> memref<16384xi32, #tpu.memory_space<hbm>>
    %dma_start3A_10 = tpu.memref_slice %arg3[%add3A_8] : memref<4194304xi32, #tpu.memory_space<hbm>> -> memref<16384xi32, #tpu.memory_space<hbm>>
    tpu.enqueue_dma source(%dma_start3A_10 : memref<16384xi32, #tpu.memory_space<hbm>>) target(%arg7 : memref<16384xi32, #tpu.memory_space<vmem>>) target_semaphore(%arg10 : memref<!tpu.dma_semaphore, #tpu.memory_space<semaphore_mem>>)
    %parallel_loop3A = arith.constant 0 : i32
    %parallel_loop3A_11 = arith.constant 32768 : i32
    %parallel_loop3A_12 = arith.constant 16 : i32
    scf.for %parallel_loop3A_18 = %parallel_loop3A to %parallel_loop3A_11 step %parallel_loop3A_12  : i32 {
      %parallel_loop3A_19 = arith.index_cast %parallel_loop3A_18 : i32 to index
      %parallel_loop3A_20 = tpu.vector_load %arg9[%parallel_loop3A_19] {strides = array<i32>} : memref<32768xf32, #tpu.memory_space<vmem>>, vector<16xf32>,
      tpu.vector_store %arg9[%parallel_loop3A_19], %broadcast_in_dim3A_3 {strides = array<i32>} : memref<32768xf32, #tpu.memory_space<vmem>>, vector<16xf32>,
    } {sc.loop_unroll_factor = 8 : i64, sc.parallel_access}
    %scan3A = arith.constant 0 : i32
    %scan3A_13 = arith.constant 0 : i32
    %scan3A_14 = arith.constant 4 : i32
    %scan3A_15 = arith.addi %scan3A_13, %scan3A_14 : i32
    %scan3A_16 = arith.constant 1 : i32
    scf.for %scan3A_18 = %scan3A_13 to %scan3A_15 step %scan3A_16  : i32 {
      %mul3A_19 = arith.constant 2 : i32
      %mul3A_20 = arith.muli %scan3A_18, %mul3A_19 : i32
      %add3A_21 = arith.constant 0 : i32
      %add3A_22 = arith.addi %mul3A_20, %add3A_21 : i32
      %add3A_23 = arith.constant 1 : i32
      %add3A_24 = arith.addi %add3A_22, %add3A_23 : i32
      %lt3A = arith.constant 8 : i32
      %lt3A_25 = arith.cmpi slt, %add3A_24, %lt3A : i32
      %convert_element_type3A = arith.extui %lt3A_25 : i1 to i32
      %cond3A = arith.constant 0 : i32
      %cond3A_26 = arith.cmpi ne, %convert_element_type3A, %cond3A : i32
      scf.if %cond3A_26 {
        %add3A_59 = arith.constant 1 : i32
        %add3A_60 = arith.addi %add3A_22, %add3A_59 : i32
        %mul3A_61 = arith.constant 16384 : i32
        %mul3A_62 = arith.muli %add3A_60, %mul3A_61 : i32
        %add3A_63 = arith.addi %mul3A_2, %mul3A_62 : i32
        %dma_start3A_64 = tpu.memref_slice %arg2[%add3A_63] : memref<4194304xf32, #tpu.memory_space<hbm>> -> memref<16384xf32, #tpu.memory_space<hbm>>
        %dma_start3A_65 = tpu.memref_slice %arg2[%add3A_63] : memref<4194304xf32, #tpu.memory_space<hbm>> -> memref<16384xf32, #tpu.memory_space<hbm>>
        tpu.enqueue_dma source(%dma_start3A_65 : memref<16384xf32, #tpu.memory_space<hbm>>) target(%arg6 : memref<16384xf32, #tpu.memory_space<vmem>>) target_semaphore(%arg11 : memref<!tpu.dma_semaphore, #tpu.memory_space<semaphore_mem>>)
        %mul3A_66 = arith.constant 16384 : i32
        %mul3A_67 = arith.muli %add3A_60, %mul3A_66 : i32
        %add3A_68 = arith.addi %mul3A_2, %mul3A_67 : i32
        %dma_start3A_69 = tpu.memref_slice %arg3[%add3A_68] : memref<4194304xi32, #tpu.memory_space<hbm>> -> memref<16384xi32, #tpu.memory_space<hbm>>
        %dma_start3A_70 = tpu.memref_slice %arg3[%add3A_68] : memref<4194304xi32, #tpu.memory_space<hbm>> -> memref<16384xi32, #tpu.memory_space<hbm>>
        tpu.enqueue_dma source(%dma_start3A_70 : memref<16384xi32, #tpu.memory_space<hbm>>) target(%arg8 : memref<16384xi32, #tpu.memory_space<vmem>>) target_semaphore(%arg11 : memref<!tpu.dma_semaphore, #tpu.memory_space<semaphore_mem>>)
      } else {
      }
      %dma_wait3A = arith.constant 0 : i32
      %dma_wait3A_27 = tpu.memref_slice %arg2[%dma_wait3A] : memref<4194304xf32, #tpu.memory_space<hbm>> -> memref<16384xf32, #tpu.memory_space<hbm>>
      %dma_wait3A_28 = arith.constant 0 : i32
      %dma_wait3A_29 = tpu.memref_slice %arg2[%dma_wait3A_28] : memref<4194304xf32, #tpu.memory_space<hbm>> -> memref<16384xf32, #tpu.memory_space<hbm>>
      tpu.wait_dma2 semaphore(%arg10 : memref<!tpu.dma_semaphore, #tpu.memory_space<semaphore_mem>>) src(%dma_wait3A_29 : memref<16384xf32, #tpu.memory_space<hbm>>) dst(%arg5 : memref<16384xf32, #tpu.memory_space<vmem>>)
      %dma_wait3A_30 = arith.constant 0 : i32
      %dma_wait3A_31 = tpu.memref_slice %arg3[%dma_wait3A_30] : memref<4194304xi32, #tpu.memory_space<hbm>> -> memref<16384xi32, #tpu.memory_space<hbm>>
      %dma_wait3A_32 = arith.constant 0 : i32
      %dma_wait3A_33 = tpu.memref_slice %arg3[%dma_wait3A_32] : memref<4194304xi32, #tpu.memory_space<hbm>> -> memref<16384xi32, #tpu.memory_space<hbm>>
      tpu.wait_dma2 semaphore(%arg10 : memref<!tpu.dma_semaphore, #tpu.memory_space<semaphore_mem>>) src(%dma_wait3A_33 : memref<16384xi32, #tpu.memory_space<hbm>>) dst(%arg7 : memref<16384xi32, #tpu.memory_space<vmem>>)
      %parallel_loop3A_34 = arith.constant 0 : i32
      %parallel_loop3A_35 = arith.constant 16384 : i32
      %parallel_loop3A_36 = arith.constant 16 : i32
      scf.for %parallel_loop3A_59 = %parallel_loop3A_34 to %parallel_loop3A_35 step %parallel_loop3A_36  : i32 {
        %parallel_loop3A_60 = arith.index_cast %parallel_loop3A_59 : i32 to index
        %parallel_loop3A_61 = tpu.vector_load %arg5[%parallel_loop3A_60] {strides = array<i32>} : memref<16384xf32, #tpu.memory_space<vmem>>, vector<16xf32>,
        %parallel_loop3A_62 = arith.index_cast %parallel_loop3A_59 : i32 to index
        %parallel_loop3A_63 = tpu.vector_load %arg7[%parallel_loop3A_62] {strides = array<i32>} : memref<16384xi32, #tpu.memory_space<vmem>>, vector<16xi32>,
        %parallel_loop3A_64 = arith.sitofp %parallel_loop3A_63 : vector<16xi32> to vector<16xf32>
        %parallel_loop3A_65 = arith.addf %parallel_loop3A_64, %parallel_loop3A_64 : vector<16xf32>
        %parallel_loop3A_66 = arith.constant 1.000000e+00 : f32
        %parallel_loop3A_67 = vector.broadcast %parallel_loop3A_66 : f32 to vector<16xf32>
        %parallel_loop3A_68 = arith.subf %parallel_loop3A_65, %parallel_loop3A_67 : vector<16xf32>
        %parallel_loop3A_69 = arith.mulf %parallel_loop3A_61, %parallel_loop3A_68 : vector<16xf32>
        %parallel_loop3A_70 = arith.constant 1.000000e+00 : f32
        %parallel_loop3A_71 = vector.broadcast %parallel_loop3A_70 : f32 to vector<16xf32>
        %parallel_loop3A_72 = arith.subf %parallel_loop3A_71, %parallel_loop3A_69 : vector<16xf32>
        %parallel_loop3A_73 = arith.constant 0.000000e+00 : f32
        %parallel_loop3A_74 = vector.broadcast %parallel_loop3A_73 : f32 to vector<16xf32>
        %parallel_loop3A_75 = arith.cmpf ogt, %parallel_loop3A_72, %parallel_loop3A_74 : vector<16xf32>
        %parallel_loop3A_76 = arith.constant 4.097000e+03 : f32
        %parallel_loop3A_77 = vector.broadcast %parallel_loop3A_76 : f32 to vector<16xf32>
        %parallel_loop3A_78 = arith.addf %parallel_loop3A_72, %parallel_loop3A_77 : vector<16xf32>
        %parallel_loop3A_79 = math.exp %parallel_loop3A_72 : vector<16xf32>
        %parallel_loop3A_80 = arith.constant 4.096000e+03 : f32
        %parallel_loop3A_81 = vector.broadcast %parallel_loop3A_80 : f32 to vector<16xf32>
        %parallel_loop3A_82 = arith.addf %parallel_loop3A_79, %parallel_loop3A_81 : vector<16xf32>
        %parallel_loop3A_83 = arith.select %parallel_loop3A_75, %parallel_loop3A_78, %parallel_loop3A_82 : vector<16xi1>, vector<16xf32>
        %parallel_loop3A_84 = arith.constant 1.024000e+03 : f32
        %parallel_loop3A_85 = vector.broadcast %parallel_loop3A_84 : f32 to vector<16xf32>
        %parallel_loop3A_86 = arith.mulf %parallel_loop3A_85, %parallel_loop3A_69 : vector<16xf32>
        %parallel_loop3A_87 = arith.constant 8.192000e+03 : f32
        %parallel_loop3A_88 = vector.broadcast %parallel_loop3A_87 : f32 to vector<16xf32>
        %parallel_loop3A_89 = arith.addf %parallel_loop3A_88, %parallel_loop3A_86 : vector<16xf32>
        %parallel_loop3A_90 = arith.fptosi %parallel_loop3A_89 : vector<16xf32> to vector<16xi32>
        %parallel_loop3A_91 = arith.constant 16384 : i32
        %parallel_loop3A_92 = vector.broadcast %parallel_loop3A_91 : i32 to vector<16xi32>
        %parallel_loop3A_93 = arith.muli %parallel_loop3A_63, %parallel_loop3A_92 : vector<16xi32>
        %parallel_loop3A_94 = arith.addi %parallel_loop3A_90, %parallel_loop3A_93 : vector<16xi32>
        tpu.vector_store_idx %arg9[%parallel_loop3A_94], %parallel_loop3A_83 {add = true} : memref<32768xf32, #tpu.memory_space<vmem>>[vector<16xi32>], vector<16xf32>,
      } {sc.loop_unroll_factor = 16 : i64, sc.parallel_access}
      %mul3A_37 = arith.constant 2 : i32
      %mul3A_38 = arith.muli %scan3A_18, %mul3A_37 : i32
      %add3A_39 = arith.constant 1 : i32
      %add3A_40 = arith.addi %mul3A_38, %add3A_39 : i32
      %add3A_41 = arith.constant 1 : i32
      %add3A_42 = arith.addi %add3A_40, %add3A_41 : i32
      %lt3A_43 = arith.constant 8 : i32
      %lt3A_44 = arith.cmpi slt, %add3A_42, %lt3A_43 : i32
      %convert_element_type3A_45 = arith.extui %lt3A_44 : i1 to i32
      %cond3A_46 = arith.constant 0 : i32
      %cond3A_47 = arith.cmpi ne, %convert_element_type3A_45, %cond3A_46 : i32
      scf.if %cond3A_47 {
        %add3A_59 = arith.constant 1 : i32
        %add3A_60 = arith.addi %add3A_40, %add3A_59 : i32
        %mul3A_61 = arith.constant 16384 : i32
        %mul3A_62 = arith.muli %add3A_60, %mul3A_61 : i32
        %add3A_63 = arith.addi %mul3A_2, %mul3A_62 : i32
        %dma_start3A_64 = tpu.memref_slice %arg2[%add3A_63] : memref<4194304xf32, #tpu.memory_space<hbm>> -> memref<16384xf32, #tpu.memory_space<hbm>>
        %dma_start3A_65 = tpu.memref_slice %arg2[%add3A_63] : memref<4194304xf32, #tpu.memory_space<hbm>> -> memref<16384xf32, #tpu.memory_space<hbm>>
        tpu.enqueue_dma source(%dma_start3A_65 : memref<16384xf32, #tpu.memory_space<hbm>>) target(%arg5 : memref<16384xf32, #tpu.memory_space<vmem>>) target_semaphore(%arg10 : memref<!tpu.dma_semaphore, #tpu.memory_space<semaphore_mem>>)
        %mul3A_66 = arith.constant 16384 : i32
        %mul3A_67 = arith.muli %add3A_60, %mul3A_66 : i32
        %add3A_68 = arith.addi %mul3A_2, %mul3A_67 : i32
        %dma_start3A_69 = tpu.memref_slice %arg3[%add3A_68] : memref<4194304xi32, #tpu.memory_space<hbm>> -> memref<16384xi32, #tpu.memory_space<hbm>>
        %dma_start3A_70 = tpu.memref_slice %arg3[%add3A_68] : memref<4194304xi32, #tpu.memory_space<hbm>> -> memref<16384xi32, #tpu.memory_space<hbm>>
        tpu.enqueue_dma source(%dma_start3A_70 : memref<16384xi32, #tpu.memory_space<hbm>>) target(%arg7 : memref<16384xi32, #tpu.memory_space<vmem>>) target_semaphore(%arg10 : memref<!tpu.dma_semaphore, #tpu.memory_space<semaphore_mem>>)
      } else {
      }
      %dma_wait3A_48 = arith.constant 0 : i32
      %dma_wait3A_49 = tpu.memref_slice %arg2[%dma_wait3A_48] : memref<4194304xf32, #tpu.memory_space<hbm>> -> memref<16384xf32, #tpu.memory_space<hbm>>
      %dma_wait3A_50 = arith.constant 0 : i32
      %dma_wait3A_51 = tpu.memref_slice %arg2[%dma_wait3A_50] : memref<4194304xf32, #tpu.memory_space<hbm>> -> memref<16384xf32, #tpu.memory_space<hbm>>
      tpu.wait_dma2 semaphore(%arg11 : memref<!tpu.dma_semaphore, #tpu.memory_space<semaphore_mem>>) src(%dma_wait3A_51 : memref<16384xf32, #tpu.memory_space<hbm>>) dst(%arg6 : memref<16384xf32, #tpu.memory_space<vmem>>)
      %dma_wait3A_52 = arith.constant 0 : i32
      %dma_wait3A_53 = tpu.memref_slice %arg3[%dma_wait3A_52] : memref<4194304xi32, #tpu.memory_space<hbm>> -> memref<16384xi32, #tpu.memory_space<hbm>>
      %dma_wait3A_54 = arith.constant 0 : i32
      %dma_wait3A_55 = tpu.memref_slice %arg3[%dma_wait3A_54] : memref<4194304xi32, #tpu.memory_space<hbm>> -> memref<16384xi32, #tpu.memory_space<hbm>>
      tpu.wait_dma2 semaphore(%arg11 : memref<!tpu.dma_semaphore, #tpu.memory_space<semaphore_mem>>) src(%dma_wait3A_55 : memref<16384xi32, #tpu.memory_space<hbm>>) dst(%arg8 : memref<16384xi32, #tpu.memory_space<vmem>>)
      %parallel_loop3A_56 = arith.constant 0 : i32
      %parallel_loop3A_57 = arith.constant 16384 : i32
      %parallel_loop3A_58 = arith.constant 16 : i32
      scf.for %parallel_loop3A_59 = %parallel_loop3A_56 to %parallel_loop3A_57 step %parallel_loop3A_58  : i32 {
        %parallel_loop3A_60 = arith.index_cast %parallel_loop3A_59 : i32 to index
        %parallel_loop3A_61 = tpu.vector_load %arg6[%parallel_loop3A_60] {strides = array<i32>} : memref<16384xf32, #tpu.memory_space<vmem>>, vector<16xf32>,
        %parallel_loop3A_62 = arith.index_cast %parallel_loop3A_59 : i32 to index
        %parallel_loop3A_63 = tpu.vector_load %arg8[%parallel_loop3A_62] {strides = array<i32>} : memref<16384xi32, #tpu.memory_space<vmem>>, vector<16xi32>,
        %parallel_loop3A_64 = arith.sitofp %parallel_loop3A_63 : vector<16xi32> to vector<16xf32>
        %parallel_loop3A_65 = arith.addf %parallel_loop3A_64, %parallel_loop3A_64 : vector<16xf32>
        %parallel_loop3A_66 = arith.constant 1.000000e+00 : f32
        %parallel_loop3A_67 = vector.broadcast %parallel_loop3A_66 : f32 to vector<16xf32>
        %parallel_loop3A_68 = arith.subf %parallel_loop3A_65, %parallel_loop3A_67 : vector<16xf32>
        %parallel_loop3A_69 = arith.mulf %parallel_loop3A_61, %parallel_loop3A_68 : vector<16xf32>
        %parallel_loop3A_70 = arith.constant 1.000000e+00 : f32
        %parallel_loop3A_71 = vector.broadcast %parallel_loop3A_70 : f32 to vector<16xf32>
        %parallel_loop3A_72 = arith.subf %parallel_loop3A_71, %parallel_loop3A_69 : vector<16xf32>
        %parallel_loop3A_73 = arith.constant 0.000000e+00 : f32
        %parallel_loop3A_74 = vector.broadcast %parallel_loop3A_73 : f32 to vector<16xf32>
        %parallel_loop3A_75 = arith.cmpf ogt, %parallel_loop3A_72, %parallel_loop3A_74 : vector<16xf32>
        %parallel_loop3A_76 = arith.constant 4.097000e+03 : f32
        %parallel_loop3A_77 = vector.broadcast %parallel_loop3A_76 : f32 to vector<16xf32>
        %parallel_loop3A_78 = arith.addf %parallel_loop3A_72, %parallel_loop3A_77 : vector<16xf32>
        %parallel_loop3A_79 = math.exp %parallel_loop3A_72 : vector<16xf32>
        %parallel_loop3A_80 = arith.constant 4.096000e+03 : f32
        %parallel_loop3A_81 = vector.broadcast %parallel_loop3A_80 : f32 to vector<16xf32>
        %parallel_loop3A_82 = arith.addf %parallel_loop3A_79, %parallel_loop3A_81 : vector<16xf32>
        %parallel_loop3A_83 = arith.select %parallel_loop3A_75, %parallel_loop3A_78, %parallel_loop3A_82 : vector<16xi1>, vector<16xf32>
        %parallel_loop3A_84 = arith.constant 1.024000e+03 : f32
        %parallel_loop3A_85 = vector.broadcast %parallel_loop3A_84 : f32 to vector<16xf32>
        %parallel_loop3A_86 = arith.mulf %parallel_loop3A_85, %parallel_loop3A_69 : vector<16xf32>
        %parallel_loop3A_87 = arith.constant 8.192000e+03 : f32
        %parallel_loop3A_88 = vector.broadcast %parallel_loop3A_87 : f32 to vector<16xf32>
        %parallel_loop3A_89 = arith.addf %parallel_loop3A_88, %parallel_loop3A_86 : vector<16xf32>
        %parallel_loop3A_90 = arith.fptosi %parallel_loop3A_89 : vector<16xf32> to vector<16xi32>
        %parallel_loop3A_91 = arith.constant 16384 : i32
        %parallel_loop3A_92 = vector.broadcast %parallel_loop3A_91 : i32 to vector<16xi32>
        %parallel_loop3A_93 = arith.muli %parallel_loop3A_63, %parallel_loop3A_92 : vector<16xi32>
        %parallel_loop3A_94 = arith.addi %parallel_loop3A_90, %parallel_loop3A_93 : vector<16xi32>
        tpu.vector_store_idx %arg9[%parallel_loop3A_94], %parallel_loop3A_83 {add = true} : memref<32768xf32, #tpu.memory_space<vmem>>[vector<16xi32>], vector<16xf32>,
      } {sc.loop_unroll_factor = 16 : i64, sc.parallel_access}
    }
    %scan3A_17 = arith.constant 4 : i32
    "tpu.region"() ({
      %run_scoped3A = tpu.sem_alloc : memref<!tpu.dma_semaphore, #tpu.memory_space<semaphore_mem>>
      %dma_start3A_18 = arith.constant 0 : i32
      %dma_start3A_19 = tpu.memref_slice %arg4[%add3A, %dma_start3A_18] : memref<32x32768xf32, #tpu.memory_space<hbm>> -> memref<1x32768xf32, #tpu.memory_space<hbm>>
      %dma_start3A_20 = tpu.memref_squeeze %dma_start3A_19 : memref<1x32768xf32, #tpu.memory_space<hbm>> -> memref<32768xf32, #tpu.memory_space<hbm>>
      %dma_start3A_21 = arith.constant 0 : i32
      %dma_start3A_22 = tpu.memref_slice %arg4[%add3A, %dma_start3A_21] : memref<32x32768xf32, #tpu.memory_space<hbm>> -> memref<1x32768xf32, #tpu.memory_space<hbm>>
      %dma_start3A_23 = tpu.memref_squeeze %dma_start3A_22 : memref<1x32768xf32, #tpu.memory_space<hbm>> -> memref<32768xf32, #tpu.memory_space<hbm>>
      tpu.enqueue_dma source(%arg9 : memref<32768xf32, #tpu.memory_space<vmem>>) target(%dma_start3A_23 : memref<32768xf32, #tpu.memory_space<hbm>>) target_semaphore(%run_scoped3A : memref<!tpu.dma_semaphore, #tpu.memory_space<semaphore_mem>>)
      %dma_wait3A = arith.constant 0 : i32
      %dma_wait3A_24 = tpu.memref_slice %arg4[%add3A, %dma_wait3A] : memref<32x32768xf32, #tpu.memory_space<hbm>> -> memref<1x32768xf32, #tpu.memory_space<hbm>>
      %dma_wait3A_25 = tpu.memref_squeeze %dma_wait3A_24 : memref<1x32768xf32, #tpu.memory_space<hbm>> -> memref<32768xf32, #tpu.memory_space<hbm>>
      %dma_wait3A_26 = arith.constant 0 : i32
      %dma_wait3A_27 = tpu.memref_slice %arg4[%add3A, %dma_wait3A_26] : memref<32x32768xf32, #tpu.memory_space<hbm>> -> memref<1x32768xf32, #tpu.memory_space<hbm>>
      %dma_wait3A_28 = tpu.memref_squeeze %dma_wait3A_27 : memref<1x32768xf32, #tpu.memory_space<hbm>> -> memref<32768xf32, #tpu.memory_space<hbm>>
      tpu.wait_dma2 semaphore(%run_scoped3A : memref<!tpu.dma_semaphore, #tpu.memory_space<semaphore_mem>>) src(%arg9 : memref<32768xf32, #tpu.memory_space<vmem>>) dst(%dma_wait3A_28 : memref<32768xf32, #tpu.memory_space<hbm>>)
      tpu.yield
    }) : () -> ()
    return
  }
}

module attributes {stable_mosaic.version = 14 : i64} {
  func.func @_tc_body(%arg0: memref<32x2x128x128xf32, #tpu.memory_space<vmem>>, %arg1: memref<1x1xf32, #tpu.memory_space<vmem>>) attributes {dimension_semantics = [], scalar_prefetch = 0 : i64, scratch_operands = 0 : i64, tpu.core_type = #tpu.core_type<tc>} {
    %get3A = arith.constant 0 : index
    %get3A_0 = arith.constant 0 : index
    %get3A_1 = arith.constant 0 : index
    %get3A_2 = arith.constant 0 : index
    %get3A_3 = vector.load %arg0[%get3A, %get3A_0, %get3A_1, %get3A_2] : memref<32x2x128x128xf32, #tpu.memory_space<vmem>>, vector<32x2x128x128xf32>
    %mul3A = arith.constant 2.44140625E-4 : f32
    %mul3A_4 = vector.broadcast %mul3A : f32 to vector<32x2x128x128xf32>
    %mul3A_5 = arith.mulf %get3A_3, %mul3A_4 : vector<32x2x128x128xf32>
    %floor3A = math.floor %mul3A_5 : vector<32x2x128x128xf32>
    %mul3A_6 = arith.constant 4.096000e+03 : f32
    %mul3A_7 = vector.broadcast %mul3A_6 : f32 to vector<32x2x128x128xf32>
    %mul3A_8 = arith.mulf %floor3A, %mul3A_7 : vector<32x2x128x128xf32>
    %sub3A = arith.subf %get3A_3, %mul3A_8 : vector<32x2x128x128xf32>
    %slice3A = vector.extract_strided_slice %floor3A {offsets = [0, 0, 0, 0], sizes = [32, 1, 128, 128], strides = [1, 1, 1, 1]} : vector<32x2x128x128xf32> to vector<32x1x128x128xf32>
    %squeeze3A = vector.shape_cast %slice3A : vector<32x1x128x128xf32> to vector<32x128x128xf32>
    %reduce_sum3A = arith.constant dense<0.000000e+00> : vector<128x128xf32>
    %reduce_sum3A_9 = vector.multi_reduction <add>, %squeeze3A, %reduce_sum3A [0] : vector<32x128x128xf32> to vector<128x128xf32>
    %slice3A_10 = vector.extract_strided_slice %floor3A {offsets = [0, 1, 0, 0], sizes = [32, 1, 128, 128], strides = [1, 1, 1, 1]} : vector<32x2x128x128xf32> to vector<32x1x128x128xf32>
    %squeeze3A_11 = vector.shape_cast %slice3A_10 : vector<32x1x128x128xf32> to vector<32x128x128xf32>
    %reduce_sum3A_12 = arith.constant dense<0.000000e+00> : vector<128x128xf32>
    %reduce_sum3A_13 = vector.multi_reduction <add>, %squeeze3A_11, %reduce_sum3A_12 [0] : vector<32x128x128xf32> to vector<128x128xf32>
    %slice3A_14 = vector.extract_strided_slice %sub3A {offsets = [0, 0, 0, 0], sizes = [32, 1, 128, 128], strides = [1, 1, 1, 1]} : vector<32x2x128x128xf32> to vector<32x1x128x128xf32>
    %squeeze3A_15 = vector.shape_cast %slice3A_14 : vector<32x1x128x128xf32> to vector<32x128x128xf32>
    %reduce_sum3A_16 = arith.constant dense<0.000000e+00> : vector<128x128xf32>
    %reduce_sum3A_17 = vector.multi_reduction <add>, %squeeze3A_15, %reduce_sum3A_16 [0] : vector<32x128x128xf32> to vector<128x128xf32>
    %slice3A_18 = vector.extract_strided_slice %sub3A {offsets = [0, 1, 0, 0], sizes = [32, 1, 128, 128], strides = [1, 1, 1, 1]} : vector<32x2x128x128xf32> to vector<32x1x128x128xf32>
    %squeeze3A_19 = vector.shape_cast %slice3A_18 : vector<32x1x128x128xf32> to vector<32x128x128xf32>
    %reduce_sum3A_20 = arith.constant dense<0.000000e+00> : vector<128x128xf32>
    %reduce_sum3A_21 = vector.multi_reduction <add>, %squeeze3A_19, %reduce_sum3A_20 [0] : vector<32x128x128xf32> to vector<128x128xf32>
    %iota3A = tpu.iota {dimensions = array<i32: 0>} : vector<128x128xi32>
    %iota3A_22 = tpu.iota {dimensions = array<i32: 1>} : vector<128x128xi32>
    %lt3A = arith.cmpi slt, %iota3A, %iota3A_22 : vector<128x128xi32>
    %convert_element_type3A = arith.extui %lt3A : vector<128x128xi1> to vector<128x128xi32>
    %convert_element_type3A_23 = arith.sitofp %convert_element_type3A : vector<128x128xi32> to vector<128x128xf32>
    %lt3A_24 = arith.cmpi slt, %iota3A_22, %iota3A : vector<128x128xi32>
    %convert_element_type3A_25 = arith.extui %lt3A_24 : vector<128x128xi1> to vector<128x128xi32>
    %convert_element_type3A_26 = arith.sitofp %convert_element_type3A_25 : vector<128x128xi32> to vector<128x128xf32>
    %dot_general3A = arith.constant dense<0.000000e+00> : vector<128x128xf32>
    %dot_general3A_27 = tpu.matmul %reduce_sum3A_9, %convert_element_type3A_23, %dot_general3A {dimension_numbers = #tpu.dot_dimension_numbers<[1], [0], [0], [1], [0, 0, 1, 1], [], []>, precision = #tpu.contract_precision<fp32>, transpose_lhs_hint = false} : vector<128x128xf32>, vector<128x128xf32>, vector<128x128xf32> -> vector<128x128xf32>
    %reduce_sum3A_28 = arith.constant dense<0.000000e+00> : vector<128xf32>
    %reduce_sum3A_29 = vector.multi_reduction <add>, %reduce_sum3A_9, %reduce_sum3A_28 [1] : vector<128x128xf32> to vector<128xf32>
    %broadcast_in_dim3A = vector.shape_cast %reduce_sum3A_29 : vector<128xf32> to vector<128x1xf32>
    %dot_general3A_30 = arith.constant dense<0.000000e+00> : vector<128x1xf32>
    %dot_general3A_31 = tpu.matmul %convert_element_type3A_26, %broadcast_in_dim3A, %dot_general3A_30 {dimension_numbers = #tpu.dot_dimension_numbers<[1], [0], [0], [1], [0, 0, 1, 1], [], []>, precision = #tpu.contract_precision<fp32>, transpose_lhs_hint = false} : vector<128x128xf32>, vector<128x1xf32>, vector<128x1xf32> -> vector<128x1xf32>
    %add3A = vector.broadcast %dot_general3A_31 : vector<128x1xf32> to vector<128x128xf32>
    %add3A_32 = arith.addf %add3A, %dot_general3A_27 : vector<128x128xf32>
    %dot_general3A_33 = arith.constant dense<0.000000e+00> : vector<128x128xf32>
    %dot_general3A_34 = tpu.matmul %reduce_sum3A_13, %convert_element_type3A_23, %dot_general3A_33 {dimension_numbers = #tpu.dot_dimension_numbers<[1], [0], [0], [1], [0, 0, 1, 1], [], []>, precision = #tpu.contract_precision<fp32>, transpose_lhs_hint = false} : vector<128x128xf32>, vector<128x128xf32>, vector<128x128xf32> -> vector<128x128xf32>
    %reduce_sum3A_35 = arith.constant dense<0.000000e+00> : vector<128xf32>
    %reduce_sum3A_36 = vector.multi_reduction <add>, %reduce_sum3A_13, %reduce_sum3A_35 [1] : vector<128x128xf32> to vector<128xf32>
    %broadcast_in_dim3A_37 = vector.shape_cast %reduce_sum3A_36 : vector<128xf32> to vector<128x1xf32>
    %dot_general3A_38 = arith.constant dense<0.000000e+00> : vector<128x1xf32>
    %dot_general3A_39 = tpu.matmul %convert_element_type3A_26, %broadcast_in_dim3A_37, %dot_general3A_38 {dimension_numbers = #tpu.dot_dimension_numbers<[1], [0], [0], [1], [0, 0, 1, 1], [], []>, precision = #tpu.contract_precision<fp32>, transpose_lhs_hint = false} : vector<128x128xf32>, vector<128x1xf32>, vector<128x1xf32> -> vector<128x1xf32>
    %add3A_40 = vector.broadcast %dot_general3A_39 : vector<128x1xf32> to vector<128x128xf32>
    %add3A_41 = arith.addf %add3A_40, %dot_general3A_34 : vector<128x128xf32>
    %reduce_sum3A_42 = vector.shape_cast %reduce_sum3A_13 : vector<128x128xf32> to vector<1x128x128xf32>
    %reduce_sum3A_43 = arith.constant dense<0.000000e+00> : vector<1xf32>
    %reduce_sum3A_44 = vector.multi_reduction <add>, %reduce_sum3A_42, %reduce_sum3A_43 [1, 2] : vector<1x128x128xf32> to vector<1xf32>
    %reduce_sum3A_45 = vector.shape_cast %reduce_sum3A_44 : vector<1xf32> to vector<1x1x1xf32>
    %reduce_sum3A_46 = vector.extract %reduce_sum3A_45[0, 0, 0] : f32 from vector<1x1x1xf32>
    %add3A_47 = vector.broadcast %reduce_sum3A_46 : f32 to vector<128x128xf32>
    %add3A_48 = arith.addf %add3A_47, %add3A_32 : vector<128x128xf32>
    %add3A_49 = arith.addf %add3A_48, %reduce_sum3A_9 : vector<128x128xf32>
    %max3A = arith.constant 1.000000e+00 : f32
    %max3A_50 = vector.broadcast %max3A : f32 to vector<128x128xf32>
    %max3A_51 = arith.maximumf %add3A_49, %max3A_50 : vector<128x128xf32>
    %div3A = arith.divf %reduce_sum3A_21, %max3A_51 : vector<128x128xf32>
    %sub3A_52 = vector.broadcast %reduce_sum3A_46 : f32 to vector<128x128xf32>
    %sub3A_53 = arith.subf %sub3A_52, %add3A_41 : vector<128x128xf32>
    %mul3A_54 = arith.mulf %reduce_sum3A_17, %sub3A_53 : vector<128x128xf32>
    %mul3A_55 = arith.mulf %add3A_48, %add3A_49 : vector<128x128xf32>
    %max3A_56 = arith.constant 1.000000e+00 : f32
    %max3A_57 = vector.broadcast %max3A_56 : f32 to vector<128x128xf32>
    %max3A_58 = arith.maximumf %mul3A_55, %max3A_57 : vector<128x128xf32>
    %div3A_59 = arith.divf %mul3A_54, %max3A_58 : vector<128x128xf32>
    %add3A_60 = arith.addf %div3A, %div3A_59 : vector<128x128xf32>
    %reduce_sum3A_61 = vector.shape_cast %add3A_60 : vector<128x128xf32> to vector<1x128x128xf32>
    %reduce_sum3A_62 = arith.constant dense<0.000000e+00> : vector<1xf32>
    %reduce_sum3A_63 = vector.multi_reduction <add>, %reduce_sum3A_61, %reduce_sum3A_62 [1, 2] : vector<1x128x128xf32> to vector<1xf32>
    %reduce_sum3A_64 = vector.shape_cast %reduce_sum3A_63 : vector<1xf32> to vector<1x1x1xf32>
    %reduce_sum3A_65 = vector.extract %reduce_sum3A_64[0, 0, 0] : f32 from vector<1x1x1xf32>
    %reshape3A = vector.broadcast %reduce_sum3A_65 : f32 to vector<1x1xf32>
    %swap3A = arith.constant 0 : index
    %swap3A_66 = arith.constant 0 : index
    %swap3A_67 = vector.load %arg1[%swap3A, %swap3A_66] : memref<1x1xf32, #tpu.memory_space<vmem>>, vector<1x1xf32>
    tpu.vector_store %arg1[%swap3A, %swap3A_66], %reshape3A {strides = array<i32>} : memref<1x1xf32, #tpu.memory_space<vmem>>, vector<1x1xf32>,
    return
  }
}

</mosaic_0001>

<sc_bundles>
// kernel: kernel.4.cloned.1.call-start
scs
__scs_entry_jumppad:
0x0: {  	(pc) =	sbr.rel $0x88, $3  }
0x1: {  	(tag) =	ssettag $0x0;
	lr =	simm.s32 $0x1  }
0x2: {  	[smem:$0x3F9F] =	sst lr;
	_ =	strace $0xD0000000  }
0x3: {  	_ = 	snop  }
0x4: {  	_ = 	snop  }
0x5: {  	_ = 	snop  }
0x6: {  	_ = 	snop  }
0x7: {  	_ = 	snop  }
__scs_overlays_trampoline_lowered:
0x8: {  	[smem:$0x3FAE] =	sst s0  }
0x9: {  	[smem:$0x3FAF] =	sst s1  }
0xa: {  	[smem:$0x3FB0] =	sst s2  }
0xb: {  	[smem:$0x3FB1] =	sst s3  }
0xc: {  	[smem:$0x3FB2] =	sst s4  }
0xd: {  	[smem:$0x3FB3] =	sst s5  }
0xe: {  	[smem:$0x3FB4] =	sst s6  }
0xf: {  	[smem:$0x3FB5] =	sst s7  }
0x10: {  	[smem:$0x3FB6] =	sst s8  }
0x11: {  	[smem:$0x3FB7] =	sst s9;
	s0 =	simm.s32 @!p0 $0x0  }
0x12: {  	s1 =	sld [smem:$0x3F9D];
	s0 =	simm.s32 @p0 $0x1  }
0x13: {  	[smem:$0x3FB8] =	sst s0;
	s0 =	simm.s32 @!p1 $0x0  }
0x14: {  	s2 =	sld [smem:$0x3F9C];
	s0 =	simm.s32 @p1 $0x1  }
0x15: {  	[smem:$0x3FB9] =	sst s0;
	s0 =	simm.s32 @!p2 $0x0  }
0x16: {  	s3 =	sld [smem:$0x3FDB];
	s0 =	simm.s32 @p2 $0x1  }
0x17: {  	s4 =	simm.s32 $0x1BF5;
	[smem:$0x3FBB] =	sst s0  }
0x18: {  	s0 =	sld [smem:$0x3F9E];
	_ =	swait.ge [sflag:s4], $0x0  }
0x19: {  	s7 =	sld [smem:$0x3F9F]  }
0x1a: {  	s8 =	sadd.s32 $0xFFFFE003, lr  }
0x1b: {  	s9 =	sadd.s32 $0xFFFFFEF7, lr;
	s5 =	simm.s32 $0xFFFFFFFF;
	p2 =	slt.u32 s8, $0xFFFFF086  }
0x1c: {  	p1 =	slt.u32 s9, $0xF7A;
	s5 =	simm.s32 @!p2 $0x0  }
0x1d: {  	s5 =	simm.s32 @p1 $0x1;
	p0 =	seq.s32 s7, s2  }
0x1e: {  	s7 =	smul.u32 @!p0 $0xF7A, s2;
	p2 =	seq.s32 @!p0 s5, $0x0  }
0x1f: {  	s9 =	smul.u32 $0xF7A, s1;
	s8 =	simm.s32 @!p0 $0x1BF5;
	p2 =	por !p2, p0  }
0x20: {  	[sflag:s8] =	ssyncset.s32 @!p0 $0xFFFFF086;
	s6 =	sadd.s32 @!p0 s3, s7;
	s7 =	simm.s32 @!p0 $0x108  }
0x21: {  	s3 =	sadd.s32 s3, s9;
	s6 =	sadd.s32 @!p0 $0x88, s6;
	s7 =	simm.s32 @p2 $0x1082  }
0x22: {  	[simem:s7], [sflag:s8] =	dma.local @!p0 [hbm:s6], $0xF7A  }
0x23: {  	s9 =	sor.u32 $0xD0000000, s2;
	s6 =	simm.s32 $0x108;
	_ =	swait.ge @!p0 [sflag:s8], $0x0  }
0x24: {  	s3 =	sadd.s32 $0x88, s3;
	s6 =	simm.s32 @!p1 $0x1082;
	[sflag:s4] =	ssyncset.s32 $0xFFFFF086  }
0x25: {  	[simem:s6], [sflag:s4] =	dma.local [hbm:s3], $0xF7A  }
0x26: {  	[smem:$0x3F9F] =	sst s1;
	(tag) =	ssettag s2;
	_ =	strace s9  }
0x27: {  	s1 =	sld [smem:$0x3FAF]  }
0x28: {  	s2 =	sld [smem:$0x3FB0]  }
0x29: {  	s4 =	sld [smem:$0x3FB2]  }
0x2a: {  	p0 =	seq.s32 s5, $0x0;
	s5 =	sld [smem:$0x3FB3]  }
0x2b: {  	s6 =	sld [smem:$0x3FB4]  }
0x2c: {  	s7 =	sld [smem:$0x3FB5]  }
0x2d: {  	s3 =	simm.s32 $0x108;
	s8 =	sld [smem:$0x3FB6]  }
0x2e: {  	s3 =	simm.s32 @!p0 $0x1082;
	s9 =	sld [smem:$0x3FB7]  }
0x2f: {  	lr =	sadd.s32 s0, s3;
	s0 =	sld [smem:$0x3FAE]  }
0x30: {  	s3 =	sld [smem:$0x3FB1]  }
0x31: {  	[smem:$0x3FBA] =	sst s10  }
0x32: {  	s10 =	sld [smem:$0x3FB8];
	_ =	sdelay $0x3  }
0x33: {  	p0 =	seq.s32 s10, $0x1;
	s10 =	sld [smem:$0x3FBA];
	_ =	sdelay $0x3  }
0x34: {  	[smem:$0x3FBA] =	sst s10  }
0x35: {  	s10 =	sld [smem:$0x3FB9];
	_ =	sdelay $0x3  }
0x36: {  	p1 =	seq.s32 s10, $0x1;
	s10 =	sld [smem:$0x3FBA];
	_ =	sdelay $0x3  }
0x37: {  	[smem:$0x3FBA] =	sst s10  }
0x38: {  	s10 =	sld [smem:$0x3FBB]  }
0x39: {  	_ = 	snop;
	(pc) =	sbr.ind lr, $3  }
0x3a: {  	_ = 	snop  }
0x3b: {  	_ = 	snop  }
0x3c: {  	p2 =	seq.s32 s10, $0x1;
	s10 =	sld [smem:$0x3FBA]  }
0x3d: {  	_ =	shalt  }
0x3e: {  	_ =	shalt  }
0x3f: {  	_ =	shalt  }
0x40: {  	_ =	shalt  }
0x41: {  	_ =	shalt  }
0x42: {  	_ =	shalt  }
0x43: {  	_ =	shalt  }
0x44: {  	_ =	shalt  }
0x45: {  	_ =	shalt  }
0x46: {  	_ =	shalt  }
0x47: {  	_ =	shalt  }
0x48: {  	_ =	shalt  }
0x49: {  	_ =	shalt  }
0x4a: {  	_ =	shalt  }
0x4b: {  	_ =	shalt  }
0x4c: {  	_ =	shalt  }
0x4d: {  	_ =	shalt  }
0x4e: {  	_ =	shalt  }
0x4f: {  	_ =	shalt  }
0x50: {  	_ =	shalt  }
0x51: {  	_ =	shalt  }
0x52: {  	_ =	shalt  }
0x53: {  	_ =	shalt  }
0x54: {  	_ =	shalt  }
0x55: {  	_ =	shalt  }
0x56: {  	_ =	shalt  }
0x57: {  	_ =	shalt  }
0x58: {  	_ =	shalt  }
0x59: {  	_ =	shalt  }
0x5a: {  	_ =	shalt  }
0x5b: {  	_ =	shalt  }
0x5c: {  	_ =	shalt  }
0x5d: {  	_ =	shalt  }
0x5e: {  	_ =	shalt  }
0x5f: {  	_ =	shalt  }
0x60: {  	_ =	shalt  }
0x61: {  	_ =	shalt  }
0x62: {  	_ =	shalt  }
0x63: {  	_ =	shalt  }
0x64: {  	_ =	shalt  }
0x65: {  	_ =	shalt  }
0x66: {  	_ =	shalt  }
0x67: {  	_ =	shalt  }
0x68: {  	_ =	shalt  }
0x69: {  	_ =	shalt  }
0x6a: {  	_ =	shalt  }
0x6b: {  	_ =	shalt  }
0x6c: {  	_ =	shalt  }
0x6d: {  	_ =	shalt  }
0x6e: {  	_ =	shalt  }
0x6f: {  	_ =	shalt  }
0x70: {  	_ =	shalt  }
0x71: {  	_ =	shalt  }
0x72: {  	_ =	shalt  }
0x73: {  	_ =	shalt  }
0x74: {  	_ =	shalt  }
0x75: {  	_ =	shalt  }
0x76: {  	_ =	shalt  }
0x77: {  	_ =	shalt  }
0x78: {  	_ =	shalt  }
0x79: {  	_ =	shalt  }
0x7a: {  	_ =	shalt  }
0x7b: {  	_ =	shalt  }
0x7c: {  	_ =	shalt  }
0x7d: {  	_ =	shalt  }
0x7e: {  	_ =	shalt  }
0x7f: {  	_ =	shalt  }
0x80: {  	_ =	shalt  }
0x81: {  	_ =	shalt  }
0x82: {  	_ =	shalt  }
0x83: {  	_ =	shalt  }
0x84: {  	_ =	shalt  }
0x85: {  	_ =	shalt  }
0x86: {  	_ =	shalt  }
0x87: {  	_ =	shalt  }
.Lfunc_end0:
.L_simem_size_0:
called_computation_lowered:
.L_overlay_start_0:
0x88: {  	s2 =	sld [smem:$0x3FD9]  }
0x89: {  	s3 =	sld [smem:$0x3FFE];
	_ =	sdelay $0x1  }
0x8a: {  	s1 =	srdreg.scid  }
0x8b: {  	s0 =	sand.u32 $0x1, s1  }
0x8c: {  	s17 =	sshll.u32 s0, $0xA;
	s2 =	sadd.s32 s3, s2  }
0x8d: {  	s2 =	sadd.s32 s2, s17  }
0x8e: {  	[smem:$0x3FC6] =	sst s2  }
0x8f: {  	_ = 	snop  }
0x90: {  	s2 =	sld [smem:$0x3FC9]  }
0x91: {  	s18 =	sld [smem:$0x3FC8];
	(tm) =	ssettm $0x1  }
0x92: {  	s4 =	sld [smem:$0x3FFB];
	_ =	sdelay $0x3  }
0x93: {  	_ =	strace s4  }
0x94: {  	s4 =	sld [smem:$0x3FFC];
	_ =	sdelay $0x3  }
0x95: {  	_ =	strace s4  }
0x96: {  	s4 =	sld [smem:$0x3FFD];
	_ =	sdelay $0x3  }
0x97: {  	_ =	strace s4  }
0x98: {  	_ =	strace $0x8FFFFFFF  }
0x99: {  	s19 =	sld [smem:$0x3FDB];
	_ =	sdelay $0x1  }
0x9a: {  	s5 =	simm.s32 $_scs_section_size  }
0x9b: {  	s6 =	simm.s32 $_size__tile_overlayer_lowered;
	s7 =	simm.s32 $_tile_overlayer_lowered  }
0x9c: {  	s22 =	simm.s32 $0x1BFF;
	s21 =	sshll.u32 s7, $0x1;
	s4 =	sadd.s32 s5, s19  }
0x9d: {  	s8 =	simm.s32 $0x0;
	s20 =	sshll.u32 s6, $0x1;
	s6 =	sadd.s32 s21, s4  }
0x9e: {  	[timem:s8], [sflag:s22] =	dma.local [hbm:s6], s20  }
0x9f: {  	_ =	swait.ge [sflag:s22], s20  }
0xa0: {  	s5 =	ssub.s32 $0x0, s20;
	[sflag:s22] =	ssyncset.done $0x0  }
0xa1: {  	[sflag:s22] =	ssyncadd.s32 s5;
	_ =	sdelay $0x1  }
0xa2: {  	s23 =	simm.s32 $0x1B8B  }
0xa3: {  	_ =	swait.ge [sflag:s23], $0x1  }
0xa4: {  	[sflag:s23] =	ssyncset.done $0x0  }
0xa5: {  	s25 =	simm.s32 $0x1B8E;
	s24 =	sld [smem:$0x3FFE];
	[sflag:s23] =	ssyncadd.s32 $0xFFFFFFFF  }
0xa6: {  	s26 =	simm.s32 $execute0_lowered;
	[smem:$0x3FD2] =	sst s25  }
0xa7: {  	s6 =	sshll.u32 s26, $0x1;
	_ =	strace $0x80000046;
	[dreg:$0x1] =	wrdreg $0xFFFFFFFF  }
0xa8: {  	s28 =	simm.s32 $_size_execute0_lowered;
	s4 =	sadd.s32 s4, s6;
	[dreg:$0x0] =	wrdreg $0x0  }
0xa9: {  	s6 =	sshll.u32 s28, $0x1;
	[dreg:$0x2] =	wrdreg s4  }
0xaa: {  	[dreg:$0x3] =	wrdreg s6  }
0xab: {  	[dreg:$0x4] =	wrdreg $0xC0  }
0xac: {  	_ =	task [dreg:s8], $0x5FFFF  }
0xad: {  	[dreg:$0x1] =	wrdreg $0xFFFFFFFF  }
0xae: {  	[dreg:$0x0] =	wrdreg $0x60  }
0xaf: {  	[dreg:$0x2] =	wrdreg s2  }
0xb0: {  	[dreg:$0x3] =	wrdreg s18  }
0xb1: {  	[dreg:$0x4] =	wrdreg s24  }
0xb2: {  	[dreg:$0x5] =	wrdreg $0x9  }
0xb3: {  	_ =	task.clear_ibuf [dreg:s8], $0x6FFFF;
	_ =	strace $0x90000046  }
0xb4: {  	s29 =	simm.s32 $0x9;
	_ =	strace $0x80000048  }
0xb5: {  	_ =	swait.ge [sflag:s29], $0x1  }
0xb6: {  	[sflag:s29] =	ssyncadd.s32 $0xFFFFFFFF  }
0xb7: {  	_ =	strace $0x90000048  }
0xb8: {  	_ =	sfence  }
0xb9: {  	s30 =	sld [smem:$0x0];
	_ =	sdelay $0x2  }
0xba: {  	s31 =	sshll.u32 s1, $0xD;
	s1 =	sshrl.u32 s1, $0x2  }
0xbb: {  	s3 =	sand.u32 $0x4000, s31;
	s1 =	sadd.s32 s1, s30  }
0xbc: {  	s0 =	sor.u32 s3, s0;
	s1 =	sshll.u32 s1, $0x11  }
0xbd: {  	s0 =	sor.u32 s1, s0  }
0xbe: {  	s0 =	sadd.s32 $0x8F2B, s0  }
0xbf: {  	[sflag:s0] =	ssyncadd.remote.s32 $0x1  }
0xc0: {  	_ =	sfence.sel $0xFFFF  }
0xc1: {  	[dreg:$0x0] =	wrdreg $0xFFFFFFFF;
	(pc) =	sbr.abs _section_cstart, $3  }
0xc2: {  	[dreg:$0x1] =	wrdreg $0xFFFFFFFF  }
0xc3: {  	_ =	task.clear_ibuf [dreg:s8], $0x2FFFF;
	_ =	strace $0x9FFFFFFF  }
0xc4: {  	(tm) =	ssettm $0x7FFFFFFF  }
0xc5: {  	_ =	shalt  }
tec
execute0_lowered:
.L_overlay_start_1:
0x0: {  	(tag) =	ssettag $0x1  }
0x1: {  	s1 =	rddreg [dreg:$0x0]  }
0x2: {  	s2 =	rddreg [dreg:$0x1]  }
0x3: {  	s5 =	rddreg [dreg:$0x2]  }
0x4: {  	s0 =	rddreg [dreg:$0x3];
	s4 =	simm.s32 $0x0  }
0x5: {  	s3 =	stileid.u32;
	s6 =	srdreg.scid;
	s12 =	simm.s32 $0x4000  }
0x6: {  	s13 =	simm.s32 $0xC000;
	s14 =	simm.s32 $0x1;
	s15 =	simm.s32 $0x10000  }
0x7: {  	s16 =	simm.s32 $0x2;
	s17 =	simm.s32 $0x80;
	s18 =	simm.s32 $0x400  }
0x8: {  	s19 =	simm.s32 $0x3;
	s20 =	simm.s32 $0x0;
	[smem:$0x7FF] =	sst s4  }
0x9: {  	s7 =	sshll.u32 s3, $0xD;
	s6 =	sand.u32 $0x1, s6;
	s9 =	sshll.u32 s3, $0x1  }
0xa: {  	_ =	strace $0x80000047;
	s7 =	sand.u32 $0x18000, s7;
	s8 =	ssub.s32 $0x2, s6  }
0xb: {  	s6 =	sor.u32 s6, s9;
	s10 =	sadd.s32 s7, s5;
	s28 =	sshrl.u32 s8, $0x1  }
0xc: {  	s29 =	sshll.u32 s6, $0xE;
	s30 =	sshll.u32 s6, $0x4;
	s5 =	sshll.u32 s6, $0x11  }
0xd: {  	s11 =	ssub.s32 s8, s28;
	s6 =	sadd.s32 s1, s29;
	s31 =	sand.u32 $0x70, s30  }
0xe: {  	s7 =	sadd.s32 s2, s29;
	s8 =	sor.u32 $0x8000, s5;
	s9 =	sadd.s32 s31, s10  }
0xf: {  	v0 =	vimm.f32 $0.0e+00;
	s10 =	smax.u32 s11, $0x1;
	s11 =	simm.s32 $0x8000;
	s9 =	sadd.s32 $0x400, s9  }
.LBB2_1:
0x10: {  	[tilespmem:s4], [sflag:$0x1] =	stream.linear.gather [hbm4b:s6+s4], $0x4000, $0x38;
	[tilespmem:$0x18000] =	vst v63  }
0x11: {  	s21 =	simm.s32 $0x10040  }
0x12: {  	[tilespmem:s11], [sflag:$0x1] =	stream.linear.gather [hbm4b:s7+s4], $0x4000, $0x38;
	[tilespmem:$0x18000] =	vst v63  }
0x13: {  	[tilespmem:s21+$0xFFFFFFC0] =	vst v0  }
0x14: {  	[tilespmem:s21+$0x30] =	vst v0  }
0x15: {  	[tilespmem:s21+$0x20] =	vst v0  }
0x16: {  	[tilespmem:s21+$0x10] =	vst v0  }
0x17: {  	[tilespmem:s21+$0x0] =	vst v0  }
0x18: {  	[tilespmem:s21+$0xFFFFFFF0] =	vst v0  }
0x19: {  	s22 =	simm.s32 $0x0;
	[tilespmem:s21+$0xFFFFFFE0] =	vst v0  }
.LBB2_2:
0x1a: {  	s22 =	sadd.s32 $0x80, s22;
	[tilespmem:s21+$0xFFFFFFD0] =	vst v0;
	s21 =	sadd.s32 $0x80, s21  }
0x1b: {  	[tilespmem:s21+$0xFFFFFFC0] =	vst v0;
	p0 =	slt.u32 s22, $0x7F80  }
0x1c: {  	[tilespmem:s21+$0x30] =	vst v0  }
.Ltmp0:
0x1d: {  	[tilespmem:s21+$0x20] =	vst v0;
	(pc) =	sbr.rel @p0 .LBB2_2-.Ltmp0, $4  }
0x1e: {  	[tilespmem:s21+$0x10] =	vst v0  }
0x1f: {  	[tilespmem:s21+$0x0] =	vst v0  }
0x20: {  	[tilespmem:s21+$0xFFFFFFF0] =	vst v0  }
0x21: {  	[tilespmem:s21+$0xFFFFFFE0] =	vst v0  }
0x22: {  	[tilespmem:s21+$0xFFFFFFD0] =	vst v0;
	s21 =	simm.s32 $0x0  }
.LBB2_4:
0x23: {  	s22 =	sshll.u32 s21, $0xF  }
0x24: {  	s23 =	sor.u32 s22, s5  }
0x25: {  	s23 =	sshrl.u32 s23, $0x3  }
0x26: {  	s23 =	sor.u32 $0x800, s23  }
0x27: {  	s24 =	sadd.s32 s1, s23  }
0x28: {  	[tilespmem:s12], [sflag:$0x2] =	stream.linear.gather [hbm4b:s24+s4], $0x4000, $0x38;
	[tilespmem:$0x18000] =	vst v63  }
0x29: {  	s23 =	sadd.s32 s2, s23  }
0x2a: {  	[tilespmem:s13], [sflag:$0x2] =	stream.linear.gather [hbm4b:s23+s4], $0x4000, $0x38;
	[tilespmem:$0x18000] =	vst v63  }
0x2b: {  	_ =	swait.ge [sflag:s14], $0x4000  }
0x2c: {  	[sflag:s14] =	ssyncset.done $0x0  }
0x2d: {  	[sflag:s14] =	ssyncadd.s32 $0xFFFFC000  }
0x2e: {  	_ =	swait.ge [sflag:s14], $0x4000  }
0x2f: {  	[sflag:s14] =	ssyncset.done $0x0  }
0x30: {  	s31 =	simm.s32 $0x8080;
	[sflag:s14] =	ssyncadd.s32 $0xFFFFC000  }
0x31: {  	v2 =	vld [tilespmem:s31+$0x70]  }
0x32: {  	v1 =	vld [tilespmem:s31+$0xFFFFFF80]  }
0x33: {  	v17 =	vld [tilespmem:s31+$0xFFFFFF90]  }
0x34: {  	v3 =	vld [tilespmem:s31+$0xFFFFFFA0]  }
0x35: {  	v4 =	vld [tilespmem:s31+$0xFFFFFFB0]  }
0x36: {  	v5 =	vld [tilespmem:s31+$0xFFFFFFC0]  }
0x37: {  	v7 =	vld [tilespmem:s31+$0xFFFFFFE0]  }
0x38: {  	s23 =	simm.s32 $0x80;
	v8 =	vld [tilespmem:s31+$0xFFFFFFF0]  }
0x39: {  	v10 =	vld [tilespmem:s23+$0x70]  }
0x3a: {  	v6 =	vld [tilespmem:s31+$0xFFFFFFD0];
	v9 =	vcvt.s32.f32 v2  }
0x3b: {  	v27 =	vld [tilespmem:s23+$0xFFFFFF90];
	v11 =	vcvt.s32.f32 v1;
	v12 =	vcvt.s32.f32 v17  }
0x3c: {  	v30 =	vld [tilespmem:s23+$0xFFFFFFA0];
	v15 =	vcvt.s32.f32 v3;
	v24 =	vcvt.s32.f32 v7;
	v13 =	vadd.f32 v9, v9  }
0x3d: {  	v37 =	vld [tilespmem:s23+$0xFFFFFFE0];
	v26 =	vcvt.s32.f32 v8;
	v14 =	vadd.f32 v11, v11;
	v16 =	vadd.f32 v12, v12  }
0x3e: {  	v39 =	vld [tilespmem:s23+$0xFFFFFFF0];
	v15 =	vadd.f32 v15, v15;
	v24 =	vadd.f32 v24, v24  }
0x3f: {  	v44 =	vld [tilespmem:s23+$0xFFFFFF80];
	v18 =	vcvt.s32.f32 v4;
	v26 =	vadd.f32 v26, v26;
	v19 =	vadd.f32 $-1.000000000e+00, v13  }
0x40: {  	v9 =	vld [tilespmem:s31+$0x0];
	v20 =	vadd.f32 $-1.000000000e+00, v14;
	v22 =	vadd.f32 $-1.000000000e+00, v16  }
0x41: {  	v21 =	vcvt.s32.f32 v5;
	v11 =	vld [tilespmem:s31+$0x10];
	v16 =	vadd.f32 v18, v18;
	v18 =	vadd.f32 $-1.000000000e+00, v15  }
0x42: {  	v12 =	vld [tilespmem:s31+$0x20];
	v24 =	vadd.f32 $-1.000000000e+00, v24;
	v26 =	vadd.f32 $-1.000000000e+00, v26;
	v10 =	vmul.f32 v19, v10  }
0x43: {  	v19 =	vadd.f32 v21, v21;
	v21 =	vcvt.s32.f32 v6;
	v22 =	vmul.f32 v22, v27  }
0x44: {  	v32 =	vld [tilespmem:s23+$0xFFFFFFB0];
	v18 =	vmul.f32 v18, v30;
	v24 =	vmul.f32 v24, v37  }
0x45: {  	v2 =	vshll.u32 v2, $0xE;
	v20 =	vmul.f32 v20, v44;
	v26 =	vmul.f32 v26, v39  }
0x46: {  	v14 =	vld [tilespmem:s31+$0x40];
	v23 =	vadd.f32 $-1.000000000e+00, v16;
	v28 =	vcvt.s32.f32 v9;
	v31 =	vcvt.s32.f32 v11  }
0x47: {  	v15 =	vld [tilespmem:s31+$0x50];
	v33 =	vcvt.s32.f32 v12;
	v25 =	vsub.f32 $1.000000000e+00, v10;
	v19 =	vadd.f32 $-1.000000000e+00, v19  }
0x48: {  	v34 =	vld [tilespmem:s23+$0xFFFFFFC0];
	v21 =	vadd.f32 v21, v21;
	v10 =	vmul.f32 $1.024000000e+03, v10;
	v63 =	vsub.f32 $1.000000000e+00, v20  }
0x49: {  	v23 =	vmul.f32 v23, v32;
	v44 =	vsub.f32 $1.000000000e+00, v18;
	v47 =	vsub.f32 $1.000000000e+00, v24  }
0x4a: {  	v48 =	vsub.f32 $1.000000000e+00, v26;
	v20 =	vmul.f32 $1.024000000e+03, v20;
	v18 =	vmul.f32 $1.024000000e+03, v18  }
0x4b: {  	v16 =	vld [tilespmem:s31+$0x60];
	v28 =	vadd.f32 v28, v28;
	v33 =	vadd.f32 v33, v33;
	v36 =	vcvt.s32.f32 v14  }
0x4c: {  	v38 =	vcvt.s32.f32 v15;
	v29 =	vmul.f32 $1.442695020e+00, v25;
	v21 =	vadd.f32 $-1.000000000e+00, v21  }
0x4d: {  	v13 =	vld [tilespmem:s31+$0x30];
	v10 =	vadd.f32 $8.192000000e+03, v10;
	v19 =	vmul.f32 v19, v34;
	v34 =	vadd.f32 $4.097000000e+03, v25  }
0x4e: {  	v35 =	vld [tilespmem:s23+$0xFFFFFFD0];
	v55 =	vmul.f32 $1.442695020e+00, v63;
	v58 =	vmul.f32 $1.442695020e+00, v47;
	vm0 =	vgt.f32 v25, $0.0e+00  }
0x4f: {  	v41 =	vld [tilespmem:s23+$0x0];
	vm1 =	vgt.f32 v63, $0.0e+00;
	vm5 =	vgt.f32 v44, $0.0e+00;
	v20 =	vadd.f32 $8.192000000e+03, v20  }
0x50: {  	v45 =	vld [tilespmem:s23+$0x20];
	v36 =	vadd.f32 v36, v36;
	v40 =	vcvt.s32.f32 v16;
	v28 =	vadd.f32 $-1.000000000e+00, v28  }
0x51: {  	v38 =	vadd.f32 v38, v38;
	v33 =	vadd.f32 $-1.000000000e+00, v33;
	(erf) = vpow2.f32 v29  }
0x52: {  	v29 =	vadd.f32 v31, v31;
	v31 =	vcvt.s32.f32 v13;
	v10 =	vtrunc.f32 v10  }
0x53: {  	v60 =	vld [tilespmem:s23+$0x40];
	v21 =	vmul.f32 v21, v35;
	v40 =	vadd.f32 v40, v40;
	v10 =	vcvt.f32.s32 v10  }
0x54: {  	v30 =	vld [tilespmem:s23+$0x50];
	v36 =	vadd.f32 $-1.000000000e+00, v36;
	v38 =	vadd.f32 $-1.000000000e+00, v38;
	v56 =	vmul.f32 v28, v41  }
0x55: {  	v41 =	vmul.f32 v33, v45;
	v45 =	vsub.f32 $1.000000000e+00, v19;
	(erf) = vpow2.f32 v55  }
0x56: {  	v42 =	vld [tilespmem:s23+$0x10];
	v28 =	vmul.f32 $1.442695020e+00, v48;
	v19 =	vmul.f32 $1.024000000e+03, v19;
	v31 =	vadd.f32 v31, v31  }
0x57: {  	v43 =	vadd.f32 $-1.000000000e+00, v29;
	v29 =	vsub.f32 $1.000000000e+00, v21;
	v21 =	vmul.f32 $1.024000000e+03, v21  }
0x58: {  	v62 =	vld [tilespmem:s23+$0x60];
	v0 =	vadd.s32 v10, v2;
	v10 =	vadd.f32 $-1.000000000e+00, v40;
	v36 =	vmul.f32 v36, v60  }
0x59: {  	v30 =	vmul.f32 v38, v30;
	v40 =	vsub.f32 $1.000000000e+00, v23;
	v49 =	vsub.f32 $1.000000000e+00, v56  }
0x5a: {  	v27 =	vld [tilespmem:s23+$0x30];
	v51 =	vsub.f32 $1.000000000e+00, v41;
	vm3 =	vgt.f32 v45, $0.0e+00;
	v23 =	vmul.f32 $1.024000000e+03, v23  }
0x5b: {  	v41 =	vmul.f32 $1.024000000e+03, v41;
	v31 =	vadd.f32 $-1.000000000e+00, v31;
	v46 =	vmul.f32 v43, v42  }
0x5c: {  	v42 =	vsub.f32 $1.000000000e+00, v22;
	vm2 =	vgt.f32 v29, $0.0e+00;
	v22 =	vmul.f32 $1.024000000e+03, v22  }
0x5d: {  	v21 =	vadd.f32 $8.192000000e+03, v21;
	v35 =	vmul.f32 v10, v62;
	v10 =	vmul.f32 $1.442695020e+00, v44  }
0x5e: {  	v57 =	vmul.f32 $1.442695020e+00, v40;
	v52 =	vmul.f32 $1.442695020e+00, v51;
	vm4 =	vgt.f32 v40, $0.0e+00  }
0x5f: {  	v43 =	vmul.f32 v31, v27;
	v27 =	vmul.f32 $1.442695020e+00, v42;
	v50 =	vsub.f32 $1.000000000e+00, v46  }
0x60: {  	v31 =	vsub.f32 $1.000000000e+00, v30;
	v32 =	vsub.f32 $1.000000000e+00, v35;
	v35 =	vmul.f32 $1.024000000e+03, v35  }
0x61: {  	vm6 =	vgt.f32 v42, $0.0e+00;
	(erf) = vpow2.f32 v27;
	v27 =	vmul.f32 $1.442695020e+00, v45  }
0x62: {  	v22 =	vadd.f32 $8.192000000e+03, v22;
	v59 =	vmul.f32 $1.442695020e+00, v50;
	v53 =	vmul.f32 $1.442695020e+00, v31;
	v61 =	vpop (erf)  }
0x63: {  	(erf) = vpow2.f32 v10;
	v35 =	vadd.f32 $8.192000000e+03, v35;
	v37 =	vadd.f32 $4.096000000e+03, v61  }
0x64: {  	v10 =	vmul.f32 $1.442695020e+00, v29;
	v61 =	vadd.f32 $4.097000000e+03, v63;
	v63 =	vadd.f32 $4.097000000e+03, v44  }
0x65: {  	(erf) = vpow2.f32 v57;
	v57 =	vadd.f32 $4.097000000e+03, v29;
	v44 =	vadd.f32 $4.097000000e+03, v47  }
0x66: {  	v54 =	vpop (erf);
	(erf) = vpow2.f32 v27;
	v27 =	vsub.f32 $1.000000000e+00, v43;
	v35 =	vtrunc.f32 v35  }
0x67: {  	v62 =	vadd.f32 $4.096000000e+03, v54;
	(erf) = vpow2.f32 v10;
	v10 =	vmul.f32 $1.442695020e+00, v49  }
0x68: {  	v33 =	vsel vm0, v34, v37;
	v37 =	vadd.f32 $4.097000000e+03, v40;
	vm0 =	vgt.f32 v48, $0.0e+00  }
0x69: {  	(erf) = vpow2.f32 v58;
	v39 =	vsel vm1, v61, v62;
	v62 =	vshll.u32 v1, $0xE  }
0x6a: {  	vm1 =	vgt.f32 v47, $0.0e+00;
	v58 =	vadd.f32 $8.192000000e+03, v18;
	v18 =	vmul.f32 $1.024000000e+03, v24  }
0x6b: {  	v24 =	vadd.f32 $8.192000000e+03, v19;
	v19 =	vmul.f32 $1.024000000e+03, v26;
	v61 =	vadd.f32 $8.192000000e+03, v41  }
0x6c: {  	(erf) = vpow2.f32 v28;
	v28 =	vsub.f32 $1.000000000e+00, v36;
	v36 =	vmul.f32 $1.024000000e+03, v36  }
0x6d: {  	(erf) = vpow2.f32 v10;
	v10 =	vmul.f32 $1.442695020e+00, v27;
	v26 =	vadd.f32 $8.192000000e+03, v18  }
0x6e: {  	v18 =	vmul.f32 $1.024000000e+03, v56;
	v54 =	vadd.f32 $8.192000000e+03, v19;
	v19 =	vmul.f32 $1.024000000e+03, v46  }
0x6f: {  	v34 =	vtrunc.f32 v61;
	v61 =	vadd.f32 $4.097000000e+03, v50;
	(erf) = vpow2.f32 v59  }
0x70: {  	v60 =	vmul.f32 $1.442695020e+00, v28;
	v36 =	vadd.f32 $8.192000000e+03, v36;
	(erf) = vpow2.f32 v52  }
0x71: {  	v52 =	vadd.f32 $8.192000000e+03, v23;
	v59 =	vadd.f32 $8.192000000e+03, v18;
	v47 =	vtrunc.f32 v54  }
0x72: {  	v55 =	vpop (erf);
	v23 =	vshll.u32 v3, $0xE;
	(erf) = vpow2.f32 v10;
	v10 =	vmul.f32 $1.442695020e+00, v32  }
0x73: {  	v29 =	vadd.f32 $4.096000000e+03, v55;
	v36 =	vtrunc.f32 v36;
	(erf) = vpow2.f32 v60  }
0x74: {  	v25 =	vpop (erf);
	v60 =	vadd.f32 $8.192000000e+03, v19;
	v19 =	vmul.f32 $1.024000000e+03, v43;
	v43 =	vtrunc.f32 v58  }
0x75: {  	v25 =	vadd.f32 $4.096000000e+03, v25;
	v56 =	vtrunc.f32 v52;
	v58 =	vtrunc.f32 v26  }
0x76: {  	v26 =	vadd.f32 $4.097000000e+03, v49;
	(erf) = vpow2.f32 v53;
	v53 =	vshll.u32 v17, $0xE  }
0x77: {  	v17 =	vadd.f32 $4.097000000e+03, v42;
	v43 =	vcvt.f32.s32 v43;
	(erf) = vpow2.f32 v10  }
0x78: {  	v10 =	vadd.f32 $4.097000000e+03, v45;
	v40 =	vsel vm5, v63, v25;
	v63 =	vadd.f32 $8.192000000e+03, v19  }
0x79: {  	v45 =	vadd.f32 $4.097000000e+03, v48;
	v52 =	vtrunc.f32 v60;
	v18 =	vsel vm6, v17, v29;
	v29 =	vpop (erf)  }
0x7a: {  	v25 =	vpop (erf);
	v3 =	vadd.f32 $4.096000000e+03, v29;
	v29 =	vtrunc.f32 v22;
	v2 =	vtrunc.f32 v63  }
0x7b: {  	v63 =	vadd.f32 $4.097000000e+03, v51;
	v19 =	vadd.f32 $4.096000000e+03, v25;
	v25 =	vmul.f32 $1.024000000e+03, v30  }
0x7c: {  	v30 =	vtrunc.f32 v20;
	v55 =	vpop (erf);
	v41 =	vcvt.f32.s32 v29;
	v20 =	vsel vm4, v37, v3  }
0x7d: {  	v22 =	vadd.f32 $4.096000000e+03, v55;
	v30 =	vcvt.f32.s32 v30;
	v37 =	vshll.u32 v6, $0xE  }
0x7e: {  	v6 =	vshll.u32 v16, $0xE;
	v19 =	vsel vm3, v10, v19;
	v25 =	vadd.f32 $8.192000000e+03, v25;
	v3 =	vpop (erf)  }
0x7f: {  	v10 =	vtrunc.f32 v24;
	v22 =	vsel vm2, v57, v22;
	v3 =	vadd.f32 $4.096000000e+03, v3  }
0x80: {  	v57 =	vtrunc.f32 v21;
	v48 =	vcvt.f32.s32 v10;
	v10 =	vadd.f32 $4.097000000e+03, v28;
	v24 =	vpop (erf)  }
0x81: {  	v24 =	vadd.f32 $4.096000000e+03, v24;
	v21 =	vsel vm1, v44, v3;
	v3 =	vtrunc.f32 v59  }
0x82: {  	v17 =	vpop (erf);
	vm1 =	vgt.f32 v49, $0.0e+00;
	v44 =	vcvt.f32.s32 v56;
	v49 =	vcvt.f32.s32 v58  }
0x83: {  	v17 =	vadd.f32 $4.096000000e+03, v17;
	v56 =	vcvt.f32.s32 v47;
	v58 =	vcvt.f32.s32 v34  }
0x84: {  	v59 =	vpop (erf);
	v34 =	vshll.u32 v4, $0xE;
	v4 =	vshll.u32 v11, $0xE;
	v24 =	vsel vm0, v45, v24  }
0x85: {  	v60 =	vadd.f32 $4.096000000e+03, v59;
	vm0 =	vgt.f32 v50, $0.0e+00;
	v50 =	vcvt.f32.s32 v57  }
0x86: {  	v54 =	vcvt.f32.s32 v3;
	v59 =	vcvt.f32.s32 v36;
	v36 =	vshll.u32 v5, $0xE  }
0x87: {  	v5 =	vshll.u32 v13, $0xE;
	v17 =	vsel vm1, v26, v17;
	v26 =	vpop (erf);
	vm1 =	vgt.f32 v51, $0.0e+00  }
0x88: {  	v51 =	vtrunc.f32 v25;
	v26 =	vadd.f32 $4.096000000e+03, v26;
	v25 =	vsel vm0, v61, v60  }
0x89: {  	v38 =	vpop (erf);
	vm0 =	vgt.f32 v27, $0.0e+00;
	v27 =	vadd.f32 $4.097000000e+03, v27;
	v60 =	vcvt.f32.s32 v52  }
0x8a: {  	v61 =	vcvt.f32.s32 v2;
	v57 =	vcvt.f32.s32 v51;
	v45 =	vadd.f32 $4.096000000e+03, v38  }
0x8b: {  	v52 =	vadd.f32 $4.097000000e+03, v31;
	v51 =	vadd.f32 $4.097000000e+03, v32;
	v29 =	vpop (erf);
	v26 =	vsel vm1, v63, v26  }
0x8c: {  	v29 =	vadd.f32 $4.096000000e+03, v29;
	vm1 =	vgt.f32 v28, $0.0e+00;
	v46 =	vpop (erf);
	v28 =	vsel vm0, v27, v45  }
0x8d: {  	v55 =	vpop (erf);
	v45 =	vadd.f32 $4.096000000e+03, v46;
	vm0 =	vgt.f32 v32, $0.0e+00;
	v32 =	vshll.u32 v8, $0xE  }
0x8e: {  	v8 =	vshll.u32 v12, $0xE;
	v27 =	vsel vm1, v10, v29;
	v47 =	vadd.f32 $4.096000000e+03, v55  }
0x8f: {  	v55 =	vcvt.f32.s32 v35;
	vm1 =	vgt.f32 v31, $0.0e+00;
	v35 =	vshll.u32 v7, $0xE  }
0x90: {  	s25 =	simm.s32 $0x8180;
	s24 =	simm.s32 $0x0;
	[tilespmem:v0+s15+$0x0] =	vst.idx.add.f32.msk $0xffff, v33;
	v31 =	vshll.u32 v9, $0xE;
	v9 =	vshll.u32 v14, $0xE;
	v7 =	vshll.u32 v15, $0xE  }
.LBB2_5:
0x91: {  	v33 =	vld [tilespmem:s25+$0x70]  }
0x92: {  	v2 =	vld [tilespmem:s25+$0xFFFFFF80]  }
0x93: {  	v1 =	vld [tilespmem:s25+$0xFFFFFF90];
	v6 =	vadd.s32 v55, v6;
	v46 =	vsel vm1, v52, v45  }
0x94: {  	v3 =	vld [tilespmem:s25+$0xFFFFFFA0];
	v52 =	vsel vm0, v51, v47;
	v51 =	vadd.s32 v49, v35;
	v49 =	vadd.s32 v54, v31  }
0x95: {  	v10 =	vld [tilespmem:s25+$0xFFFFFFC0];
	v47 =	vadd.s32 v58, v8;
	v45 =	vadd.s32 v61, v5;
	v5 =	vadd.s32 v59, v9  }
0x96: {  	s23 =	sadd.s32 $0x100, s23;
	v63 =	vld [tilespmem:s25+$0xFFFFFFF0];
	v57 =	vadd.s32 v57, v7;
	[tilespmem:$0x1FEF0] =	vst v52;
	v52 =	vadd.s32 v50, v37;
	v50 =	vadd.s32 v56, v32  }
0x97: {  	v12 =	vld [tilespmem:s23+$0x70];
	v0 =	vadd.s32 v30, v62;
	v30 =	vadd.s32 v41, v53;
	v41 =	vadd.s32 v43, v23  }
0x98: {  	[tilespmem:$0x1FED0] =	vst v46;
	v46 =	vld [tilespmem:s25+$0x30];
	v43 =	vadd.s32 v44, v34;
	v44 =	vadd.s32 v48, v36;
	v48 =	vadd.s32 v60, v4  }
0x99: {  	v4 =	vld [tilespmem:s25+$0xFFFFFFB0];
	v8 =	vcvt.s32.f32 v33;
	v7 =	vcvt.s32.f32 v2;
	v58 =	vshll.u32 v2, $0xE  }
0x9a: {  	v60 =	vld [tilespmem:s25+$0xFFFFFFD0];
	v9 =	vcvt.s32.f32 v1;
	v59 =	vshll.u32 v1, $0xE;
	v14 =	vcvt.s32.f32 v3  }
0x9b: {  	v61 =	vshll.u32 v3, $0xE;
	v42 =	vcvt.s32.f32 v10;
	v3 =	vld [tilespmem:s25+$0x0];
	v11 =	vadd.f32 v8, v8  }
0x9c: {  	v2 =	vld [tilespmem:s25+$0x50];
	v33 =	vshll.u32 v33, $0xE;
	v13 =	vadd.f32 v7, v7;
	v15 =	vadd.f32 v9, v9  }
0x9d: {  	[tilespmem:$0x1FEE0] =	vst v57;
	v38 =	vadd.f32 v14, v14;
	v14 =	vadd.f32 v42, v42;
	v8 =	vld [tilespmem:s25+$0x20];
	v42 =	vcvt.s32.f32 v63  }
0x9e: {  	[tilespmem:$0x1FF70] =	vst v46;
	v9 =	vld [tilespmem:s25+$0x40];
	v46 =	vcvt.s32.f32 v46;
	v31 =	vadd.f32 $-1.000000000e+00, v11;
	v54 =	vadd.f32 $-1.000000000e+00, v13  }
0x9f: {  	[tilespmem:$0x1FEC0] =	vst v0;
	v16 =	vcvt.s32.f32 v4;
	v32 =	vadd.f32 $-1.000000000e+00, v15;
	v34 =	vadd.f32 $-1.000000000e+00, v38  }
0xa0: {  	v62 =	vld [tilespmem:s25+$0xFFFFFFE0];
	[tilespmem:$0x1FF40] =	vst v63;
	v37 =	vadd.f32 $-1.000000000e+00, v14;
	v42 =	vadd.f32 v42, v42;
	v53 =	vcvt.s32.f32 v3  }
0xa1: {  	v29 =	vld [tilespmem:s23+$0xFFFFFFE0];
	[tilespmem:$0x1FF90] =	vst v2;
	v2 =	vcvt.s32.f32 v2;
	v15 =	vadd.f32 v16, v16;
	v31 =	vmul.f32 v31, v12  }
0xa2: {  	[tilespmem:$0x1FF00] =	vst v4;
	v4 =	vld [tilespmem:s25+$0x10];
	v16 =	vcvt.s32.f32 v60;
	v42 =	vadd.f32 $-1.000000000e+00, v42;
	v56 =	vadd.f32 v53, v53  }
0xa3: {  	[tilespmem:$0x1FFF0] =	vst v61;
	v38 =	vld [tilespmem:s23+$0xFFFFFFA0];
	v14 =	vcvt.s32.f32 v8;
	v53 =	vcvt.s32.f32 v9;
	v2 =	vadd.f32 v2, v2  }
0xa4: {  	v63 =	vld [tilespmem:s23+$0xFFFFFFB0];
	[tilespmem:$0x1FF20] =	vst v60;
	v8 =	vshll.u32 v8, $0xE;
	v9 =	vshll.u32 v9, $0xE;
	v35 =	vadd.f32 $-1.000000000e+00, v15  }
0xa5: {  	[tilespmem:v43+s15+$0x0] =	vst.idx.add.f32.msk $0xffff, v20;
	v15 =	vcvt.s32.f32 v62;
	v36 =	vsub.f32 $1.000000000e+00, v31;
	v16 =	vadd.f32 v16, v16  }
0xa6: {  	[tilespmem:$0x1FF30] =	vst v62;
	v60 =	vld [tilespmem:s23+$0xFFFFFF90];
	v31 =	vmul.f32 $1.024000000e+03, v31;
	v62 =	vadd.f32 v46, v46;
	v61 =	vadd.f32 v14, v14  }
0xa7: {  	[tilespmem:$0x1FF50] =	vst v3;
	v3 =	vld [tilespmem:s23+$0xFFFFFFD0];
	v13 =	vcvt.s32.f32 v4;
	v0 =	vadd.f32 v53, v53;
	v56 =	vadd.f32 $-1.000000000e+00, v56  }
0xa8: {  	[tilespmem:$0x1FF80] =	vst v58;
	v46 =	vld [tilespmem:s23+$0xFFFFFFF0];
	v2 =	vadd.f32 $-1.000000000e+00, v2;
	v57 =	vmul.f32 v34, v38;
	v55 =	vadd.f32 v15, v15  }
0xa9: {  	[tilespmem:$0x1FF60] =	vst v4;
	v4 =	vld [tilespmem:s25+$0x60];
	v12 =	vmul.f32 $1.442695020e+00, v36;
	v58 =	vadd.f32 $-1.000000000e+00, v16;
	v31 =	vadd.f32 $8.192000000e+03, v31  }
0xaa: {  	v53 =	vld [tilespmem:s23+$0x0];
	v62 =	vadd.f32 $-1.000000000e+00, v62;
	v63 =	vmul.f32 v35, v63;
	vm0 =	vgt.f32 v36, $0.0e+00  }
0xab: {  	[tilespmem:$0x1FFE0] =	vst v59;
	v38 =	vld [tilespmem:s23+$0x30];
	v59 =	vadd.f32 v13, v13;
	v61 =	vadd.f32 $-1.000000000e+00, v61;
	v60 =	vmul.f32 v32, v60  }
0xac: {  	v13 =	vld [tilespmem:s23+$0x10];
	v32 =	vsub.f32 $1.000000000e+00, v57;
	(erf) = vpow2.f32 v12;
	v31 =	vtrunc.f32 v31  }
0xad: {  	v55 =	vadd.f32 $-1.000000000e+00, v55;
	v3 =	vmul.f32 v58, v3;
	v58 =	vld [tilespmem:s23+$0x40];
	v31 =	vcvt.f32.s32 v31  }
0xae: {  	v0 =	vadd.f32 $-1.000000000e+00, v0;
	[tilespmem:v5+s15+$0x0] =	vst.idx.add.f32.msk $0xffff, v27;
	v43 =	vmul.f32 $1.442695020e+00, v32;
	v5 =	vmul.f32 $1.024000000e+03, v60  }
0xaf: {  	[tilespmem:$0x1FF10] =	vst v10;
	v14 =	vld [tilespmem:s23+$0x20];
	v59 =	vadd.f32 $-1.000000000e+00, v59;
	v10 =	vcvt.s32.f32 v4;
	v29 =	vmul.f32 v55, v29  }
0xb0: {  	v12 =	vld [tilespmem:s23+$0xFFFFFFC0];
	vm4 =	vgt.f32 v32, $0.0e+00;
	v55 =	vmul.f32 v42, v46;
	v53 =	vmul.f32 v56, v53  }
0xb1: {  	v35 =	vsub.f32 $1.000000000e+00, v3;
	v62 =	vmul.f32 v62, v38;
	v3 =	vmul.f32 $1.024000000e+03, v3  }
0xb2: {  	v33 =	vadd.s32 v31, v33;
	v31 =	vadd.f32 $4.097000000e+03, v36;
	v5 =	vadd.f32 $8.192000000e+03, v5  }
0xb3: {  	v7 =	vadd.f32 v10, v10;
	v56 =	vmul.f32 v59, v13;
	v36 =	vsub.f32 $1.000000000e+00, v55  }
0xb4: {  	[tilespmem:v47+s15+$0x0] =	vst.idx.add.f32.msk $0xffff, v26;
	v59 =	vmul.f32 v61, v14;
	v26 =	vadd.f32 $4.097000000e+03, v35;
	v3 =	vadd.f32 $8.192000000e+03, v3  }
0xb5: {  	[tilespmem:v51+s15+$0x0] =	vst.idx.add.f32.msk $0xffff, v21;
	vm7 =	vgt.f32 v35, $0.0e+00;
	v1 =	vmul.f32 v37, v12;
	v0 =	vmul.f32 v0, v58  }
0xb6: {  	[tilespmem:v30+s15+$0x0] =	vst.idx.add.f32.msk $0xffff, v18;
	v37 =	vsub.f32 $1.000000000e+00, v29;
	v58 =	vmul.f32 $1.442695020e+00, v35;
	v29 =	vmul.f32 $1.024000000e+03, v29  }
0xb7: {  	[tilespmem:$0x1FFA0] =	vst v4;
	v13 =	vld [tilespmem:s23+$0x60];
	v5 =	vtrunc.f32 v5;
	v4 =	vadd.f32 $-1.000000000e+00, v7;
	v38 =	vsub.f32 $1.000000000e+00, v56  }
0xb8: {  	v14 =	vld [tilespmem:s23+$0xFFFFFF80];
	v18 =	vsub.f32 $1.000000000e+00, v59;
	v51 =	vmul.f32 $1.442695020e+00, v36;
	v27 =	vadd.f32 $4.097000000e+03, v36  }
0xb9: {  	v3 =	vtrunc.f32 v3;
	vm9 =	vgt.f32 v36, $0.0e+00;
	v34 =	vsub.f32 $1.000000000e+00, v1  }
0xba: {  	[tilespmem:v50+s15+$0x0] =	vst.idx.add.f32.msk $0xffff, v24;
	v42 =	vsub.f32 $1.000000000e+00, v0;
	v61 =	vmul.f32 $1.442695020e+00, v37;
	v1 =	vmul.f32 $1.024000000e+03, v1  }
0xbb: {  	v12 =	vld [tilespmem:s23+$0x50];
	v0 =	vmul.f32 $1.024000000e+03, v0;
	vm8 =	vgt.f32 v37, $0.0e+00;
	v50 =	vmul.f32 $1.442695020e+00, v38  }
0xbc: {  	[tilespmem:v52+s15+$0x0] =	vst.idx.add.f32.msk $0xffff, v22;
	v11 =	vmovc v40;
	vm11 =	vgt.f32 v38, $0.0e+00;
	vm12 =	vgt.f32 v18, $0.0e+00;
	v4 =	vmul.f32 v4, v13  }
0xbd: {  	[tilespmem:v41+s15+$0x0] =	vst.idx.add.f32.msk $0xffff, v11;
	v41 =	vmul.f32 v54, v14;
	v54 =	vmul.f32 $1.442695020e+00, v34;
	v22 =	vadd.f32 $4.097000000e+03, v34  }
0xbe: {  	v36 =	vld [tilespmem:$0x1FF00];
	v10 =	vpop (erf);
	v13 =	vmul.f32 $1.442695020e+00, v42;
	v1 =	vadd.f32 $8.192000000e+03, v1;
	v0 =	vadd.f32 $8.192000000e+03, v0  }
0xbf: {  	vm6 =	vgt.f32 v34, $0.0e+00;
	vm14 =	vgt.f32 v42, $0.0e+00;
	v10 =	vadd.f32 $4.096000000e+03, v10  }
0xc0: {  	[tilespmem:v45+s15+$0x0] =	vst.idx.add.f32.msk $0xffff, v28;
	v2 =	vmul.f32 v2, v12;
	v12 =	vmul.f32 $1.442695020e+00, v18;
	v46 =	vsub.f32 $1.000000000e+00, v4  }
0xc1: {  	v7 =	vld [tilespmem:$0x1FEC0];
	v52 =	vsub.f32 $1.000000000e+00, v41;
	v28 =	vmul.f32 $1.024000000e+03, v41;
	v4 =	vmul.f32 $1.024000000e+03, v4  }
0xc2: {  	v1 =	vtrunc.f32 v1;
	v10 =	vsel vm0, v31, v10;
	v31 =	vsub.f32 $1.000000000e+00, v60  }
0xc3: {  	v0 =	vtrunc.f32 v0;
	v34 =	vshll.u32 v36, $0xE;
	v40 =	vsub.f32 $1.000000000e+00, v2  }
0xc4: {  	v60 =	vmul.f32 $1.024000000e+03, v55;
	v2 =	vmul.f32 $1.024000000e+03, v2;
	[tilespmem:v33+s15+$0x0] =	vst.idx.add.f32.msk $0xffff, v10;
	v10 =	vadd.f32 $4.097000000e+03, v31  }
0xc5: {  	[tilespmem:v48+s15+$0x0] =	vst.idx.add.f32.msk $0xffff, v25;
	v33 =	vsub.f32 $1.000000000e+00, v63;
	v21 =	vadd.f32 $4.097000000e+03, v52;
	v24 =	vmul.f32 $1.442695020e+00, v52  }
0xc6: {  	v11 =	vld [tilespmem:$0x1FEE0];
	v14 =	vmul.f32 $1.442695020e+00, v46;
	v30 =	vmul.f32 $1.442695020e+00, v31;
	[tilespmem:$0x1FFB0] =	vst v10;
	v10 =	vadd.f32 $4.097000000e+03, v32  }
0xc7: {  	[tilespmem:v44+s15+$0x0] =	vst.idx.add.f32.msk $0xffff, v19;
	v28 =	vadd.f32 $8.192000000e+03, v28;
	v4 =	vadd.f32 $8.192000000e+03, v4;
	(erf) = vpow2.f32 v24  }
0xc8: {  	v44 =	vmul.f32 $1.442695020e+00, v33;
	(erf) = vpow2.f32 v30;
	[tilespmem:$0x1FFC0] =	vst v10;
	v10 =	vadd.f32 $4.097000000e+03, v33  }
0xc9: {  	vm2 =	vgt.f32 v52, $0.0e+00;
	vm0 =	vgt.f32 v46, $0.0e+00;
	[tilespmem:v7+s15+$0x0] =	vst.idx.add.f32.msk $0xffff, v39;
	(erf) = vpow2.f32 v43  }
0xca: {  	v7 =	vsub.f32 $1.000000000e+00, v53;
	v25 =	vmul.f32 $1.442695020e+00, v40;
	(erf) = vpow2.f32 v44;
	[tilespmem:$0x1FFD0] =	vst v10;
	v10 =	vld [tilespmem:$0x1FED0]  }
0xcb: {  	v39 =	vsub.f32 $1.000000000e+00, v62;
	v28 =	vtrunc.f32 v28;
	(erf) = vpow2.f32 v54  }
0xcc: {  	v41 =	vadd.f32 $8.192000000e+03, v60;
	v4 =	vtrunc.f32 v4;
	(erf) = vpow2.f32 v58  }
0xcd: {  	[tilespmem:v49+s15+$0x0] =	vst.idx.add.f32.msk $0xffff, v17;
	v52 =	vadd.f32 $4.097000000e+03, v40;
	v23 =	vmul.f32 $1.442695020e+00, v7;
	(erf) = vpow2.f32 v61  }
0xce: {  	vm1 =	vgt.f32 v40, $0.0e+00;
	v40 =	vld [tilespmem:$0x1FF40];
	v17 =	vmul.f32 $1.442695020e+00, v39;
	(erf) = vpow2.f32 v51  }
0xcf: {  	v2 =	vadd.f32 $8.192000000e+03, v2;
	v30 =	vmul.f32 $1.024000000e+03, v57;
	(erf) = vpow2.f32 v23;
	[tilespmem:v11+s15+$0x0] =	vst.idx.add.f32.msk $0xffff, v10  }
0xd0: {  	vm3 =	vgt.f32 v31, $0.0e+00;
	v57 =	vtrunc.f32 v41;
	v61 =	vpop (erf);
	(erf) = vpow2.f32 v50;
	v10 =	vld [tilespmem:$0x1FEF0]  }
0xd1: {  	v24 =	vadd.f32 $4.097000000e+03, v37;
	v37 =	vld [tilespmem:$0x1FF10];
	v2 =	vtrunc.f32 v2;
	v45 =	vpop (erf);
	(erf) = vpow2.f32 v12  }
0xd2: {  	vm5 =	vgt.f32 v33, $0.0e+00;
	v41 =	vcvt.f32.s32 v5;
	v50 =	vpop (erf);
	(erf) = vpow2.f32 v17  }
0xd3: {  	vm10 =	vgt.f32 v7, $0.0e+00;
	vm13 =	vgt.f32 v39, $0.0e+00;
	v33 =	vld [tilespmem:$0x1FF70];
	v51 =	vpop (erf);
	(erf) = vpow2.f32 v13  }
0xd4: {  	v30 =	vadd.f32 $8.192000000e+03, v30;
	v23 =	vadd.f32 $8.192000000e+03, v29;
	v29 =	vmul.f32 $1.024000000e+03, v53;
	v12 =	vpop (erf)  }
0xd5: {  	v32 =	vshll.u32 v40, $0xE;
	(erf) = vpow2.f32 v25;
	v13 =	vpop (erf);
	[tilespmem:v6+s15+$0x0] =	vst.idx.add.f32.msk $0xffff, v10;
	v10 =	vmul.f32 $1.024000000e+03, v59  }
0xd6: {  	v36 =	vshll.u32 v37, $0xE;
	v53 =	vtrunc.f32 v30;
	(erf) = vpow2.f32 v14;
	v14 =	vpop (erf)  }
0xd7: {  	v30 =	vcvt.f32.s32 v28;
	v43 =	vcvt.f32.s32 v53;
	v54 =	vpop (erf);
	v48 =	vadd.f32 $8.192000000e+03, v10  }
0xd8: {  	v5 =	vshll.u32 v33, $0xE;
	v6 =	vmul.f32 $1.024000000e+03, v63;
	v63 =	vmul.f32 $1.024000000e+03, v56;
	v55 =	vpop (erf)  }
0xd9: {  	v29 =	vadd.f32 $8.192000000e+03, v29;
	v11 =	vmul.f32 $1.024000000e+03, v62;
	v62 =	vadd.f32 $4.096000000e+03, v61;
	v56 =	vpop (erf)  }
0xda: {  	v23 =	vtrunc.f32 v23;
	v17 =	vadd.f32 $8.192000000e+03, v63;
	v63 =	vadd.f32 $4.096000000e+03, v45;
	v45 =	vpop (erf)  }
0xdb: {  	v49 =	vcvt.f32.s32 v23;
	v23 =	vadd.f32 $4.097000000e+03, v39;
	v39 =	vld [tilespmem:$0x1FF30];
	v58 =	vtrunc.f32 v48;
	v48 =	vpop (erf)  }
0xdc: {  	v29 =	vtrunc.f32 v29;
	v20 =	vadd.f32 $4.096000000e+03, v50;
	v25 =	vadd.f32 $8.192000000e+03, v11;
	v59 =	vpop (erf)  }
0xdd: {  	v11 =	vadd.f32 $4.096000000e+03, v59;
	v59 =	vcvt.f32.s32 v0;
	v0 =	vadd.f32 $4.097000000e+03, v42;
	v42 =	vld [tilespmem:$0x1FF50]  }
0xde: {  	v50 =	vcvt.f32.s32 v3;
	v3 =	vadd.f32 $4.097000000e+03, v38;
	v38 =	vld [tilespmem:$0x1FF20];
	v19 =	vadd.f32 $4.096000000e+03, v51  }
0xdf: {  	v51 =	vadd.f32 $4.097000000e+03, v46;
	v46 =	vld [tilespmem:$0x1FF60];
	v16 =	vadd.f32 $4.096000000e+03, v12;
	v25 =	vtrunc.f32 v25  }
0xe0: {  	v28 =	vadd.f32 $4.096000000e+03, v13;
	v15 =	vadd.f32 $4.096000000e+03, v14;
	v35 =	vshll.u32 v39, $0xE  }
0xe1: {  	v40 =	vld [tilespmem:$0x1FFA0];
	v39 =	vsel vm2, v21, v62;
	v6 =	vadd.f32 $8.192000000e+03, v6;
	v14 =	vadd.f32 $4.096000000e+03, v54  }
0xe2: {  	v54 =	vcvt.f32.s32 v29;
	v29 =	vadd.f32 $4.097000000e+03, v18;
	v31 =	vshll.u32 v42, $0xE;
	v42 =	vld [tilespmem:$0x1FFB0]  }
0xe3: {  	v37 =	vshll.u32 v38, $0xE;
	v38 =	vld [tilespmem:$0x1FF90];
	v13 =	vadd.f32 $4.096000000e+03, v55;
	v55 =	vcvt.f32.s32 v4  }
0xe4: {  	v4 =	vshll.u32 v46, $0xE;
	v46 =	vld [tilespmem:$0x1FFC0];
	v21 =	vsel vm8, v24, v15;
	v6 =	vtrunc.f32 v6  }
0xe5: {  	v17 =	vtrunc.f32 v17;
	v53 =	vadd.f32 $4.096000000e+03, v56;
	v56 =	vcvt.f32.s32 v57  }
0xe6: {  	v57 =	vcvt.f32.s32 v2;
	v24 =	vsel vm9, v27, v14;
	v12 =	vadd.f32 $4.096000000e+03, v45  }
0xe7: {  	s24 =	sadd.s32 $0x100, s24;
	v44 =	vcvt.f32.s32 v6;
	v58 =	vcvt.f32.s32 v58;
	v18 =	vsel vm3, v42, v63;
	v63 =	vld [tilespmem:$0x1FFD0]  }
0xe8: {  	p0 =	slt.u32 s24, $0x3F00;
	v10 =	vadd.f32 $4.096000000e+03, v48;
	v48 =	vcvt.f32.s32 v1;
	v1 =	vadd.f32 $4.097000000e+03, v7  }
.Ltmp1:
0xe9: {  	v6 =	vshll.u32 v40, $0xE;
	v7 =	vshll.u32 v38, $0xE;
	v60 =	vpop (erf);
	v40 =	vsel vm4, v46, v20;
	(pc) =	sbr.rel @p0 .LBB2_5-.Ltmp1, $4  }
0xea: {  	v61 =	vpop (erf);
	v45 =	vadd.f32 $4.096000000e+03, v60;
	v60 =	vcvt.f32.s32 v17;
	v17 =	vsel vm10, v1, v13  }
0xeb: {  	v62 =	vld [tilespmem:$0x1FF80];
	v47 =	vadd.f32 $4.096000000e+03, v61;
	v61 =	vcvt.f32.s32 v25;
	v25 =	vsel vm11, v3, v53  }
0xec: {  	v53 =	vld [tilespmem:$0x1FFE0];
	v27 =	vsel vm14, v0, v11;
	v20 =	vsel vm5, v63, v19;
	v19 =	vsel vm6, v22, v16  }
0xed: {  	s25 =	sadd.s32 $0x100, s25;
	v22 =	vsel vm7, v26, v28;
	v26 =	vsel vm12, v29, v12;
	v28 =	vsel vm13, v23, v10;
	v23 =	vld [tilespmem:$0x1FFF0]  }
0xee: {  	v3 =	vadd.s32 v44, v34  }
0xef: {  	v10 =	vadd.s32 v48, v36  }
0xf0: {  	v11 =	vadd.s32 v50, v37  }
0xf1: {  	v44 =	vadd.s32 v56, v32  }
0xf2: {  	v46 =	vadd.s32 v54, v31  }
0xf3: {  	v5 =	vadd.s32 v61, v5;
	[tilespmem:v3+s15+$0x0] =	vst.idx.add.f32.msk $0xffff, v20  }
0xf4: {  	v48 =	vadd.s32 v59, v9;
	[tilespmem:v10+s15+$0x0] =	vst.idx.add.f32.msk $0xffff, v19  }
0xf5: {  	v50 =	vadd.s32 v55, v6;
	[tilespmem:v11+s15+$0x0] =	vst.idx.add.f32.msk $0xffff, v22  }
0xf6: {  	v0 =	vadd.s32 v30, v62;
	[tilespmem:v44+s15+$0x0] =	vst.idx.add.f32.msk $0xffff, v24  }
0xf7: {  	v1 =	vadd.s32 v41, v53;
	[tilespmem:v46+s15+$0x0] =	vst.idx.add.f32.msk $0xffff, v17  }
0xf8: {  	v2 =	vadd.s32 v43, v23;
	[tilespmem:v5+s15+$0x0] =	vst.idx.add.f32.msk $0xffff, v28  }
0xf9: {  	v53 =	vsel vm0, v51, v47;
	v43 =	vadd.s32 v49, v35;
	[tilespmem:v48+s15+$0x0] =	vst.idx.add.f32.msk $0xffff, v27  }
0xfa: {  	v3 =	vadd.s32 v60, v4;
	[tilespmem:v50+s15+$0x0] =	vst.idx.add.f32.msk $0xffff, v53  }
0xfb: {  	v4 =	vadd.s32 v58, v8;
	[tilespmem:v0+s15+$0x0] =	vst.idx.add.f32.msk $0xffff, v39  }
0xfc: {  	v49 =	vadd.s32 v57, v7;
	[tilespmem:v1+s15+$0x0] =	vst.idx.add.f32.msk $0xffff, v18  }
0xfd: {  	[tilespmem:v2+s15+$0x0] =	vst.idx.add.f32.msk $0xffff, v40  }
0xfe: {  	p0 =	seq.s32 s21, $0x3;
	[tilespmem:v43+s15+$0x0] =	vst.idx.add.f32.msk $0xffff, v21  }
0xff: {  	s22 =	sadd.s32 @!p0 s22, s8;
	[tilespmem:v3+s15+$0x0] =	vst.idx.add.f32.msk $0xffff, v25  }
0x100: {  	s22 =	sshrl.u32 @!p0 s22, $0x3;
	[tilespmem:v4+s15+$0x0] =	vst.idx.add.f32.msk $0xffff, v26;
	v3 =	vsel vm1, v52, v45  }
0x101: {  	s24 =	simm.s32 @!p0 $0x0;
	s23 =	sadd.s32 @!p0 s1, s22;
	[tilespmem:v49+s15+$0x0] =	vst.idx.add.f32.msk $0xffff, v3  }
0x102: {  	[tilespmem:s24], [sflag:$0x1] =	stream.linear.gather @!p0 [hbm4b:s23+s24], $0x4000, $0x38;
	[tilespmem:$0x18000] =	vst v63  }
0x103: {  	s22 =	sadd.s32 @!p0 s2, s22;
	s23 =	simm.s32 @!p0 $0x8000  }
0x104: {  	[tilespmem:s23], [sflag:$0x1] =	stream.linear.gather @!p0 [hbm4b:s22+s24], $0x4000, $0x38;
	[tilespmem:$0x18000] =	vst v63  }
0x105: {  	_ =	swait.ge [sflag:s16], $0x4000  }
0x106: {  	[sflag:s16] =	ssyncset.done $0x0  }
0x107: {  	[sflag:s16] =	ssyncadd.s32 $0xFFFFC000  }
0x108: {  	_ =	swait.ge [sflag:s16], $0x4000  }
0x109: {  	[sflag:s16] =	ssyncset.done $0x0  }
0x10a: {  	s31 =	simm.s32 $0xC080;
	[sflag:s16] =	ssyncadd.s32 $0xFFFFC000  }
0x10b: {  	v54 =	vld [tilespmem:s31+$0x70]  }
0x10c: {  	v1 =	vld [tilespmem:s31+$0xFFFFFF80]  }
0x10d: {  	v17 =	vld [tilespmem:s31+$0xFFFFFF90]  }
0x10e: {  	v3 =	vld [tilespmem:s31+$0xFFFFFFA0]  }
0x10f: {  	v4 =	vld [tilespmem:s31+$0xFFFFFFB0]  }
0x110: {  	v5 =	vld [tilespmem:s31+$0xFFFFFFC0]  }
0x111: {  	v7 =	vld [tilespmem:s31+$0xFFFFFFE0]  }
0x112: {  	v8 =	vld [tilespmem:s31+$0xFFFFFFF0]  }
0x113: {  	s22 =	simm.s32 $0x4080;
	v11 =	vld [tilespmem:s31+$0x10]  }
0x114: {  	v55 =	vld [tilespmem:s22+$0x70];
	v9 =	vcvt.s32.f32 v54;
	v10 =	vcvt.s32.f32 v1  }
0x115: {  	v6 =	vld [tilespmem:s31+$0xFFFFFFD0];
	v12 =	vcvt.s32.f32 v17;
	v14 =	vcvt.s32.f32 v3  }
0x116: {  	v26 =	vld [tilespmem:s22+$0xFFFFFF90];
	v16 =	vcvt.s32.f32 v4;
	v23 =	vcvt.s32.f32 v7;
	v13 =	vadd.f32 v9, v9  }
0x117: {  	v59 =	vld [tilespmem:s22+$0xFFFFFFE0];
	v25 =	vcvt.s32.f32 v8;
	v10 =	vadd.f32 v10, v10;
	v15 =	vadd.f32 v12, v12  }
0x118: {  	v38 =	vld [tilespmem:s22+$0xFFFFFFF0];
	v29 =	vcvt.s32.f32 v11;
	v19 =	vadd.f32 v14, v14;
	v16 =	vadd.f32 v16, v16  }
0x119: {  	v50 =	vld [tilespmem:s22+$0xFFFFFF80];
	v23 =	vadd.f32 v23, v23;
	v25 =	vadd.f32 v25, v25  }
0x11a: {  	v20 =	vcvt.s32.f32 v5;
	v9 =	vld [tilespmem:s31+$0x0];
	v29 =	vadd.f32 v29, v29;
	v18 =	vadd.f32 $-1.000000000e+00, v13  }
0x11b: {  	v0 =	vshll.u32 v54, $0xE;
	v12 =	vld [tilespmem:s31+$0x20];
	v10 =	vadd.f32 $-1.000000000e+00, v10;
	v21 =	vadd.f32 $-1.000000000e+00, v15  }
0x11c: {  	v14 =	vld [tilespmem:s31+$0x40];
	v23 =	vadd.f32 $-1.000000000e+00, v23;
	v25 =	vadd.f32 $-1.000000000e+00, v25;
	v2 =	vmul.f32 v18, v55  }
0x11d: {  	v18 =	vadd.f32 $-1.000000000e+00, v19;
	v19 =	vadd.f32 v20, v20;
	v20 =	vcvt.s32.f32 v6  }
0x11e: {  	v13 =	vld [tilespmem:s31+$0x30];
	v22 =	vadd.f32 $-1.000000000e+00, v16;
	v21 =	vmul.f32 v21, v26;
	v23 =	vmul.f32 v23, v59  }
0x11f: {  	v15 =	vld [tilespmem:s31+$0x50];
	v42 =	vadd.f32 $-1.000000000e+00, v29;
	v36 =	vmul.f32 v10, v50;
	v25 =	vmul.f32 v25, v38  }
0x120: {  	v16 =	vld [tilespmem:s31+$0x60];
	v27 =	vcvt.s32.f32 v9;
	v56 =	vcvt.s32.f32 v12;
	v24 =	vsub.f32 $1.000000000e+00, v2  }
0x121: {  	v58 =	vcvt.s32.f32 v14;
	v19 =	vadd.f32 $-1.000000000e+00, v19;
	v20 =	vadd.f32 v20, v20  }
0x122: {  	v2 =	vmul.f32 $1.024000000e+03, v2;
	v40 =	vsub.f32 $1.000000000e+00, v36;
	v41 =	vsub.f32 $1.000000000e+00, v21  }
0x123: {  	v29 =	vsub.f32 $1.000000000e+00, v23;
	v36 =	vmul.f32 $1.024000000e+03, v36;
	v21 =	vmul.f32 $1.024000000e+03, v21  }
0x124: {  	v27 =	vadd.f32 v27, v27;
	v33 =	vcvt.s32.f32 v13;
	v32 =	vadd.f32 v56, v56  }
0x125: {  	v46 =	vcvt.s32.f32 v15;
	v35 =	vadd.f32 v58, v58;
	v47 =	vcvt.s32.f32 v16  }
0x126: {  	v28 =	vmul.f32 $1.442695020e+00, v24;
	v20 =	vadd.f32 $-1.000000000e+00, v20;
	v2 =	vadd.f32 $8.192000000e+03, v2  }
0x127: {  	v49 =	vld [tilespmem:s22+$0x10];
	v34 =	vadd.f32 $4.097000000e+03, v24;
	v53 =	vmul.f32 $1.442695020e+00, v40;
	v55 =	vmul.f32 $1.442695020e+00, v29  }
0x128: {  	v57 =	vld [tilespmem:s22+$0xFFFFFFD0];
	v61 =	vadd.f32 $4.097000000e+03, v40;
	vm0 =	vgt.f32 v24, $0.0e+00;
	v36 =	vadd.f32 $8.192000000e+03, v36  }
0x129: {  	v51 =	vld [tilespmem:s22+$0x20];
	vm1 =	vgt.f32 v40, $0.0e+00;
	v21 =	vadd.f32 $8.192000000e+03, v21;
	v33 =	vadd.f32 v33, v33  }
0x12a: {  	v52 =	vld [tilespmem:s22+$0x40];
	v40 =	vshll.u32 v1, $0xE;
	v27 =	vadd.f32 $-1.000000000e+00, v27;
	v37 =	vadd.f32 v46, v46  }
0x12b: {  	vm6 =	vgt.f32 v41, $0.0e+00;
	v39 =	vadd.f32 v47, v47;
	v32 =	vadd.f32 $-1.000000000e+00, v32  }
0x12c: {  	v30 =	vld [tilespmem:s22+$0xFFFFFFA0];
	v35 =	vadd.f32 $-1.000000000e+00, v35;
	v46 =	vmul.f32 v42, v49;
	(erf) = vpow2.f32 v28  }
0x12d: {  	v31 =	vld [tilespmem:s22+$0xFFFFFFB0];
	v47 =	vsub.f32 $1.000000000e+00, v25;
	v2 =	vtrunc.f32 v2;
	v20 =	vmul.f32 v20, v57  }
0x12e: {  	v26 =	vld [tilespmem:s22+$0x30];
	v36 =	vtrunc.f32 v36;
	v2 =	vcvt.f32.s32 v2;
	v33 =	vadd.f32 $-1.000000000e+00, v33  }
0x12f: {  	v28 =	vld [tilespmem:s22+$0xFFFFFFC0];
	v37 =	vadd.f32 $-1.000000000e+00, v37;
	v38 =	vmul.f32 v32, v51;
	v35 =	vmul.f32 v35, v52  }
0x130: {  	(erf) = vpow2.f32 v53;
	v49 =	vsub.f32 $1.000000000e+00, v46;
	v51 =	vadd.f32 $4.097000000e+03, v29  }
0x131: {  	v45 =	vsub.f32 $1.000000000e+00, v20;
	v20 =	vmul.f32 $1.024000000e+03, v20;
	v62 =	vadd.s32 v2, v0  }
0x132: {  	v0 =	vmul.f32 v18, v30;
	v18 =	vmul.f32 v22, v31;
	v22 =	vadd.f32 $-1.000000000e+00, v39  }
0x133: {  	v31 =	vld [tilespmem:s22+$0x60];
	v26 =	vmul.f32 v33, v26;
	v50 =	vsub.f32 $1.000000000e+00, v38;
	v57 =	vmul.f32 $1.442695020e+00, v49  }
0x134: {  	vm2 =	vgt.f32 v45, $0.0e+00;
	v53 =	vadd.f32 $8.192000000e+03, v20;
	v19 =	vmul.f32 v19, v28  }
0x135: {  	v48 =	vld [tilespmem:s22+$0x0];
	v42 =	vsub.f32 $1.000000000e+00, v0;
	v43 =	vsub.f32 $1.000000000e+00, v18;
	v0 =	vmul.f32 $1.024000000e+03, v0  }
0x136: {  	v28 =	vld [tilespmem:s22+$0x50];
	v58 =	vmul.f32 $1.442695020e+00, v50;
	v18 =	vmul.f32 $1.024000000e+03, v18;
	v44 =	vsub.f32 $1.000000000e+00, v19  }
0x137: {  	v54 =	vmul.f32 $1.442695020e+00, v43;
	v19 =	vmul.f32 $1.024000000e+03, v19;
	v0 =	vadd.f32 $8.192000000e+03, v0  }
0x138: {  	v52 =	vadd.f32 $8.192000000e+03, v18;
	v18 =	vmul.f32 $1.024000000e+03, v23;
	v22 =	vmul.f32 v22, v31  }
0x139: {  	v31 =	vmul.f32 $1.442695020e+00, v47;
	v30 =	vpop (erf);
	v23 =	vadd.f32 $8.192000000e+03, v19;
	v19 =	vmul.f32 $1.024000000e+03, v25  }
0x13a: {  	v0 =	vtrunc.f32 v0;
	v10 =	vadd.f32 $4.096000000e+03, v30;
	v30 =	vmul.f32 v27, v48  }
0x13b: {  	vm5 =	vgt.f32 v42, $0.0e+00;
	v37 =	vmul.f32 v37, v28;
	v27 =	vmul.f32 $1.442695020e+00, v41  }
0x13c: {  	v28 =	vmul.f32 $1.442695020e+00, v42;
	v32 =	vsub.f32 $1.000000000e+00, v22;
	v22 =	vmul.f32 $1.024000000e+03, v22  }
0x13d: {  	v25 =	vadd.f32 $8.192000000e+03, v18;
	(erf) = vpow2.f32 v27;
	v27 =	vmul.f32 $1.442695020e+00, v44  }
0x13e: {  	v48 =	vsub.f32 $1.000000000e+00, v30;
	v33 =	vsel vm0, v34, v10;
	v18 =	vmul.f32 $1.024000000e+03, v30  }
0x13f: {  	v30 =	vadd.f32 $8.192000000e+03, v19;
	v19 =	vmul.f32 $1.024000000e+03, v46;
	(erf) = vpow2.f32 v28  }
0x140: {  	v28 =	vmul.f32 $1.442695020e+00, v45;
	(erf) = vpow2.f32 v54;
	v10 =	vadd.f32 $8.192000000e+03, v18  }
0x141: {  	v56 =	vmul.f32 $1.442695020e+00, v48;
	(erf) = vpow2.f32 v27;
	v27 =	vsub.f32 $1.000000000e+00, v26  }
0x142: {  	vm4 =	vgt.f32 v43, $0.0e+00;
	(erf) = vpow2.f32 v28;
	v10 =	vtrunc.f32 v10  }
0x143: {  	v28 =	vsub.f32 $1.000000000e+00, v35;
	(erf) = vpow2.f32 v55;
	v59 =	vmul.f32 $1.442695020e+00, v27  }
0x144: {  	v55 =	vadd.f32 $8.192000000e+03, v19;
	v19 =	vmul.f32 $1.024000000e+03, v26;
	(erf) = vpow2.f32 v31  }
0x145: {  	vm3 =	vgt.f32 v44, $0.0e+00;
	v54 =	vcvt.f32.s32 v10;
	(erf) = vpow2.f32 v56  }
0x146: {  	v31 =	vsub.f32 $1.000000000e+00, v37;
	v60 =	vmul.f32 $1.442695020e+00, v28;
	(erf) = vpow2.f32 v57  }
0x147: {  	v56 =	vadd.f32 $4.097000000e+03, v45;
	v45 =	vtrunc.f32 v52;
	(erf) = vpow2.f32 v58  }
0x148: {  	v39 =	vpop (erf);
	vm0 =	vgt.f32 v47, $0.0e+00;
	v63 =	vmul.f32 $1.442695020e+00, v31;
	(erf) = vpow2.f32 v59  }
0x149: {  	v58 =	vpop (erf);
	v59 =	vadd.f32 $4.096000000e+03, v39;
	v39 =	vshll.u32 v17, $0xE;
	v17 =	vadd.f32 $4.097000000e+03, v41  }
0x14a: {  	v57 =	vmul.f32 $1.442695020e+00, v32;
	v24 =	vpop (erf);
	v20 =	vadd.f32 $4.096000000e+03, v58;
	v58 =	vadd.f32 $8.192000000e+03, v19  }
0x14b: {  	(erf) = vpow2.f32 v60;
	v60 =	vadd.f32 $4.097000000e+03, v42;
	v24 =	vadd.f32 $4.096000000e+03, v24  }
0x14c: {  	v42 =	vtrunc.f32 v53;
	(erf) = vpow2.f32 v63;
	v2 =	vsel vm1, v61, v59  }
0x14d: {  	v61 =	vadd.f32 $4.097000000e+03, v43;
	v63 =	vadd.f32 $4.097000000e+03, v44;
	vm1 =	vgt.f32 v29, $0.0e+00  }
0x14e: {  	v29 =	vmul.f32 $1.024000000e+03, v38;
	v38 =	vshll.u32 v3, $0xE;
	v3 =	vtrunc.f32 v21  }
0x14f: {  	v44 =	vadd.f32 $4.097000000e+03, v47;
	v47 =	vtrunc.f32 v55;
	v43 =	vcvt.f32.s32 v0  }
0x150: {  	v18 =	vsel vm6, v17, v20;
	(erf) = vpow2.f32 v57;
	v57 =	vmul.f32 $1.024000000e+03, v35  }
0x151: {  	v46 =	vsel vm5, v60, v24;
	v35 =	vtrunc.f32 v58;
	v41 =	vcvt.f32.s32 v3;
	v20 =	vpop (erf)  }
0x152: {  	v3 =	vadd.f32 $4.097000000e+03, v28;
	v26 =	vadd.f32 $8.192000000e+03, v29;
	v29 =	vtrunc.f32 v23;
	v24 =	vpop (erf)  }
0x153: {  	v20 =	vadd.f32 $4.096000000e+03, v20;
	v19 =	vadd.f32 $4.096000000e+03, v24;
	v24 =	vmul.f32 $1.024000000e+03, v37;
	v59 =	vpop (erf)  }
0x154: {  	v34 =	vadd.f32 $8.192000000e+03, v57;
	v57 =	vtrunc.f32 v30;
	v30 =	vadd.f32 $4.097000000e+03, v48;
	v60 =	vpop (erf)  }
0x155: {  	v20 =	vsel vm4, v61, v20;
	v61 =	vadd.f32 $8.192000000e+03, v24;
	v24 =	vadd.f32 $4.096000000e+03, v60  }
0x156: {  	v52 =	vtrunc.f32 v26;
	v21 =	vadd.f32 $4.096000000e+03, v59;
	v34 =	vtrunc.f32 v34  }
0x157: {  	v59 =	vadd.f32 $4.097000000e+03, v50;
	v19 =	vsel vm3, v63, v19;
	v63 =	vadd.f32 $8.192000000e+03, v22;
	v23 =	vpop (erf)  }
0x158: {  	v22 =	vsel vm2, v56, v21;
	v56 =	vtrunc.f32 v25;
	v23 =	vadd.f32 $4.096000000e+03, v23  }
0x159: {  	v21 =	vsel vm1, v51, v24;
	vm1 =	vgt.f32 v48, $0.0e+00;
	v37 =	vtrunc.f32 v61;
	v24 =	vpop (erf)  }
0x15a: {  	[tilespmem:$0x1FEB0] =	vst v2;
	v2 =	vtrunc.f32 v63;
	v48 =	vcvt.f32.s32 v29;
	v25 =	vadd.f32 $4.096000000e+03, v24  }
0x15b: {  	v51 =	vadd.f32 $4.097000000e+03, v32;
	v24 =	vsel vm0, v44, v23;
	vm0 =	vgt.f32 v49, $0.0e+00  }
0x15c: {  	v44 =	vcvt.f32.s32 v45;
	v17 =	vsel vm1, v30, v25;
	v30 =	vadd.f32 $4.097000000e+03, v49  }
0x15d: {  	v26 =	vpop (erf);
	vm1 =	vgt.f32 v50, $0.0e+00;
	v50 =	vcvt.f32.s32 v42;
	v49 =	vcvt.f32.s32 v56  }
0x15e: {  	v26 =	vadd.f32 $4.096000000e+03, v26;
	v56 =	vcvt.f32.s32 v57;
	v57 =	vcvt.f32.s32 v37;
	v25 =	vpop (erf)  }
0x15f: {  	v37 =	vshll.u32 v6, $0xE;
	v6 =	vshll.u32 v16, $0xE;
	v58 =	vadd.f32 $4.096000000e+03, v25  }
0x160: {  	v25 =	vsel vm0, v30, v26;
	v60 =	vpop (erf);
	v30 =	vcvt.f32.s32 v36;
	vm0 =	vgt.f32 v27, $0.0e+00  }
0x161: {  	v27 =	vadd.f32 $4.097000000e+03, v27;
	v61 =	vpop (erf);
	v63 =	vadd.f32 $4.096000000e+03, v60;
	v60 =	vcvt.f32.s32 v47  }
0x162: {  	v26 =	vsel vm1, v59, v58;
	v36 =	vadd.f32 $4.096000000e+03, v61;
	v58 =	vcvt.f32.s32 v52  }
0x163: {  	vm1 =	vgt.f32 v28, $0.0e+00;
	v61 =	vcvt.f32.s32 v35;
	v59 =	vcvt.f32.s32 v34  }
0x164: {  	v52 =	vadd.f32 $4.097000000e+03, v31;
	v34 =	vshll.u32 v4, $0xE;
	v35 =	vshll.u32 v7, $0xE  }
0x165: {  	v45 =	vpop (erf);
	v4 =	vshll.u32 v11, $0xE;
	v7 =	vshll.u32 v15, $0xE;
	v28 =	vsel vm0, v27, v63  }
0x166: {  	v55 =	vpop (erf);
	v45 =	vadd.f32 $4.096000000e+03, v45;
	vm0 =	vgt.f32 v32, $0.0e+00;
	v32 =	vshll.u32 v8, $0xE  }
0x167: {  	v8 =	vshll.u32 v12, $0xE;
	v27 =	vsel vm1, v3, v36;
	v47 =	vadd.f32 $4.096000000e+03, v55  }
0x168: {  	v55 =	vcvt.f32.s32 v2;
	vm1 =	vgt.f32 v31, $0.0e+00;
	v36 =	vshll.u32 v5, $0xE  }
0x169: {  	s23 =	simm.s32 $0x0;
	s24 =	simm.s32 $0xC180;
	[tilespmem:v62+s15+$0x0] =	vst.idx.add.f32.msk $0xffff, v33;
	v31 =	vshll.u32 v9, $0xE;
	v5 =	vshll.u32 v13, $0xE;
	v9 =	vshll.u32 v14, $0xE  }
.LBB2_7:
0x16a: {  	v0 =	vld [tilespmem:s24+$0x70]  }
0x16b: {  	v33 =	vsel vm0, v51, v47;
	v2 =	vld [tilespmem:s24+$0xFFFFFF80];
	v51 =	vadd.s32 v49, v35  }
0x16c: {  	v3 =	vld [tilespmem:s24+$0xFFFFFFA0];
	v49 =	vadd.s32 v54, v31;
	v47 =	vadd.s32 v58, v8;
	v6 =	vadd.s32 v55, v6;
	s22 =	sadd.s32 $0x100, s22  }
0x16d: {  	v1 =	vsel vm1, v52, v45;
	v45 =	vadd.s32 v61, v5;
	v5 =	vadd.s32 v59, v9;
	v12 =	vld [tilespmem:s22+$0x70]  }
0x16e: {  	v7 =	vadd.s32 v57, v7;
	[tilespmem:$0x1FD80] =	vst v5;
	v5 =	vld [tilespmem:s24+$0xFFFFFFC0];
	v23 =	vadd.s32 v30, v40;
	v30 =	vadd.s32 v41, v39  }
0x16f: {  	v41 =	vadd.s32 v43, v38;
	v43 =	vadd.s32 v44, v34;
	v40 =	vld [tilespmem:s24+$0xFFFFFF90];
	v44 =	vadd.s32 v48, v36  }
0x170: {  	[tilespmem:$0x1FDA0] =	vst v7;
	v48 =	vadd.s32 v60, v4;
	v4 =	vld [tilespmem:s24+$0xFFFFFFB0];
	v8 =	vcvt.s32.f32 v0;
	v7 =	vcvt.s32.f32 v2  }
0x171: {  	v2 =	vshll.u32 v2, $0xE;
	v14 =	vcvt.s32.f32 v3;
	v60 =	vshll.u32 v3, $0xE;
	v3 =	vld [tilespmem:s24+$0xFFFFFFF0]  }
0x172: {  	v52 =	vadd.s32 v50, v37;
	v50 =	vadd.s32 v56, v32;
	v0 =	vshll.u32 v0, $0xE;
	[tilespmem:$0x1FDF0] =	vst v2;
	v2 =	vld [tilespmem:s24+$0x50]  }
0x173: {  	[tilespmem:$0x1FE00] =	vst v5;
	v11 =	vadd.f32 v8, v8;
	v13 =	vadd.f32 v7, v7;
	v63 =	vcvt.s32.f32 v5;
	v5 =	vld [tilespmem:s24+$0x10]  }
0x174: {  	[tilespmem:$0x1FD90] =	vst v1;
	v62 =	vadd.f32 v14, v14;
	v8 =	vld [tilespmem:s24+$0x20];
	v9 =	vcvt.s32.f32 v40;
	v1 =	vshll.u32 v40, $0xE  }
0x175: {  	v59 =	vld [tilespmem:s24+$0xFFFFFFD0];
	v16 =	vcvt.s32.f32 v4;
	v31 =	vadd.f32 $-1.000000000e+00, v11;
	v14 =	vadd.f32 v63, v63  }
0x176: {  	[tilespmem:$0x1FDB0] =	vst v33;
	v54 =	vadd.f32 $-1.000000000e+00, v13;
	v33 =	vadd.f32 $-1.000000000e+00, v62;
	v13 =	vcvt.s32.f32 v3  }
0x177: {  	[tilespmem:$0x1FDE0] =	vst v4;
	v4 =	vld [tilespmem:s24+$0x0];
	v15 =	vadd.f32 v9, v9;
	v31 =	vmul.f32 v31, v12;
	v36 =	vadd.f32 $-1.000000000e+00, v14  }
0x178: {  	v61 =	vld [tilespmem:s24+$0xFFFFFFE0];
	[tilespmem:$0x1FE70] =	vst v2;
	v2 =	vcvt.s32.f32 v2;
	v37 =	vadd.f32 v13, v13;
	v12 =	vcvt.s32.f32 v5  }
0x179: {  	[tilespmem:$0x1FDD0] =	vst v1;
	v1 =	vld [tilespmem:s24+$0x30];
	v13 =	vcvt.s32.f32 v8;
	v8 =	vshll.u32 v8, $0xE;
	v32 =	vadd.f32 $-1.000000000e+00, v15  }
0x17a: {  	v15 =	vadd.f32 v16, v16;
	v16 =	vcvt.s32.f32 v59;
	v35 =	vsub.f32 $1.000000000e+00, v31  }
0x17b: {  	v9 =	vld [tilespmem:s24+$0x40];
	v31 =	vmul.f32 $1.024000000e+03, v31;
	v2 =	vadd.f32 v2, v2;
	v58 =	vadd.f32 v12, v12  }
0x17c: {  	v29 =	vld [tilespmem:s22+$0xFFFFFFE0];
	[tilespmem:$0x1FDC0] =	vst v60;
	v14 =	vcvt.s32.f32 v4;
	v60 =	vadd.f32 v13, v13;
	v37 =	vadd.f32 $-1.000000000e+00, v37  }
0x17d: {  	v62 =	vld [tilespmem:s22+$0xFFFFFFB0];
	v34 =	vadd.f32 $-1.000000000e+00, v15;
	v15 =	vcvt.s32.f32 v61;
	v16 =	vadd.f32 v16, v16  }
0x17e: {  	[tilespmem:$0x1FE30] =	vst v3;
	v3 =	vld [tilespmem:s22+$0xFFFFFFD0];
	v40 =	vmul.f32 $1.442695020e+00, v35;
	v53 =	vcvt.s32.f32 v1;
	v31 =	vadd.f32 $8.192000000e+03, v31  }
0x17f: {  	[tilespmem:$0x1FE10] =	vst v59;
	v59 =	vld [tilespmem:s22+$0xFFFFFF90];
	v2 =	vadd.f32 $-1.000000000e+00, v2;
	vm0 =	vgt.f32 v35, $0.0e+00;
	v55 =	vadd.f32 v14, v14  }
0x180: {  	[tilespmem:$0x1FE40] =	vst v4;
	v4 =	vld [tilespmem:s24+$0x60];
	v63 =	vcvt.s32.f32 v9;
	v58 =	vadd.f32 $-1.000000000e+00, v58;
	(erf) = vpow2.f32 v40  }
0x181: {  	[tilespmem:$0x1FE60] =	vst v1;
	v1 =	vld [tilespmem:s22+$0xFFFFFFC0];
	v60 =	vadd.f32 $-1.000000000e+00, v60;
	v9 =	vshll.u32 v9, $0xE;
	v42 =	vadd.f32 v15, v15  }
0x182: {  	[tilespmem:$0x1FE20] =	vst v61;
	v14 =	vld [tilespmem:s22+$0xFFFFFFA0];
	v57 =	vadd.f32 $-1.000000000e+00, v16;
	v61 =	vadd.f32 v53, v53;
	v31 =	vtrunc.f32 v31  }
0x183: {  	v13 =	vld [tilespmem:s22+$0x10];
	v62 =	vmul.f32 v34, v62;
	v63 =	vadd.f32 v63, v63;
	v55 =	vadd.f32 $-1.000000000e+00, v55  }
0x184: {  	v53 =	vld [tilespmem:s22+$0x0];
	v31 =	vcvt.f32.s32 v31;
	v59 =	vmul.f32 v32, v59;
	v42 =	vadd.f32 $-1.000000000e+00, v42  }
0x185: {  	v10 =	vcvt.s32.f32 v4;
	v61 =	vadd.f32 $-1.000000000e+00, v61;
	v3 =	vmul.f32 v57, v3  }
0x186: {  	v12 =	vld [tilespmem:s22+$0xFFFFFFF0];
	v63 =	vadd.f32 $-1.000000000e+00, v63;
	v0 =	vadd.s32 v31, v0;
	v31 =	vadd.f32 $4.097000000e+03, v35  }
0x187: {  	v39 =	vld [tilespmem:s22+$0x30];
	[tilespmem:$0x1FE50] =	vst v5;
	v1 =	vmul.f32 v36, v1;
	v5 =	vadd.f32 v10, v10;
	v56 =	vmul.f32 v33, v14  }
0x188: {  	v7 =	vld [tilespmem:$0x1FEB0];
	v29 =	vmul.f32 v42, v29;
	v35 =	vsub.f32 $1.000000000e+00, v3;
	v3 =	vmul.f32 $1.024000000e+03, v3  }
0x189: {  	[tilespmem:v43+s15+$0x0] =	vst.idx.add.f32.msk $0xffff, v20;
	v33 =	vsub.f32 $1.000000000e+00, v62;
	v53 =	vmul.f32 v55, v53;
	v55 =	vmul.f32 v58, v13;
	v10 =	vpop (erf)  }
0x18a: {  	[tilespmem:v44+s15+$0x0] =	vst.idx.add.f32.msk $0xffff, v19;
	v34 =	vsub.f32 $1.000000000e+00, v1;
	v1 =	vmul.f32 $1.024000000e+03, v1;
	v10 =	vadd.f32 $4.096000000e+03, v10  }
0x18b: {  	[tilespmem:$0x1FE80] =	vst v4;
	v57 =	vld [tilespmem:s22+$0x40];
	v4 =	vadd.f32 $-1.000000000e+00, v5;
	v5 =	vmul.f32 v37, v12;
	v32 =	vsub.f32 $1.000000000e+00, v56  }
0x18c: {  	v14 =	vld [tilespmem:s22+$0x20];
	v37 =	vsub.f32 $1.000000000e+00, v29;
	v10 =	vsel vm0, v31, v10;
	v31 =	vsub.f32 $1.000000000e+00, v59  }
0x18d: {  	[tilespmem:v47+s15+$0x0] =	vst.idx.add.f32.msk $0xffff, v26;
	v44 =	vmul.f32 $1.442695020e+00, v33;
	v58 =	vmul.f32 $1.442695020e+00, v35;
	v20 =	vadd.f32 $4.097000000e+03, v33  }
0x18e: {  	v26 =	vadd.f32 $4.097000000e+03, v35;
	v29 =	vmul.f32 $1.024000000e+03, v29;
	[tilespmem:v0+s15+$0x0] =	vst.idx.add.f32.msk $0xffff, v10;
	v10 =	vadd.f32 $4.097000000e+03, v31  }
0x18f: {  	[tilespmem:v52+s15+$0x0] =	vst.idx.add.f32.msk $0xffff, v22;
	v3 =	vadd.f32 $8.192000000e+03, v3;
	vm5 =	vgt.f32 v33, $0.0e+00;
	vm7 =	vgt.f32 v35, $0.0e+00  }
0x190: {  	v13 =	vld [tilespmem:s22+$0x60];
	v57 =	vmul.f32 v63, v57;
	v38 =	vsub.f32 $1.000000000e+00, v55;
	[tilespmem:$0x1FE90] =	vst v10;
	v10 =	vadd.f32 $4.097000000e+03, v32  }
0x191: {  	v22 =	vadd.f32 $4.097000000e+03, v34;
	v1 =	vadd.f32 $8.192000000e+03, v1;
	v0 =	vmul.f32 v60, v14;
	v14 =	vld [tilespmem:s22+$0xFFFFFF80]  }
0x192: {  	vm6 =	vgt.f32 v34, $0.0e+00;
	v36 =	vsub.f32 $1.000000000e+00, v5;
	v43 =	vmul.f32 $1.442695020e+00, v32;
	[tilespmem:$0x1FEA0] =	vst v10;
	v10 =	vld [tilespmem:$0x1FD80]  }
0x193: {  	v12 =	vld [tilespmem:s22+$0x50];
	v5 =	vmul.f32 $1.024000000e+03, v5;
	v29 =	vadd.f32 $8.192000000e+03, v29;
	v3 =	vtrunc.f32 v3  }
0x194: {  	[tilespmem:v50+s15+$0x0] =	vst.idx.add.f32.msk $0xffff, v24;
	vm4 =	vgt.f32 v32, $0.0e+00;
	vm8 =	vgt.f32 v37, $0.0e+00;
	v50 =	vmul.f32 $1.442695020e+00, v38  }
0x195: {  	[tilespmem:v51+s15+$0x0] =	vst.idx.add.f32.msk $0xffff, v21;
	v42 =	vsub.f32 $1.000000000e+00, v57;
	v1 =	vtrunc.f32 v1;
	v4 =	vmul.f32 v4, v13  }
0x196: {  	v11 =	vmovc v46;
	[tilespmem:v48+s15+$0x0] =	vst.idx.add.f32.msk $0xffff, v25;
	vm11 =	vgt.f32 v38, $0.0e+00;
	v51 =	vmul.f32 $1.442695020e+00, v36;
	v29 =	vtrunc.f32 v29  }
0x197: {  	[tilespmem:v41+s15+$0x0] =	vst.idx.add.f32.msk $0xffff, v11;
	v5 =	vadd.f32 $8.192000000e+03, v5;
	v48 =	vcvt.f32.s32 v1;
	v41 =	vmul.f32 v54, v14  }
0x198: {  	v11 =	vld [tilespmem:$0x1FDA0];
	vm9 =	vgt.f32 v36, $0.0e+00;
	v2 =	vmul.f32 v2, v12;
	v13 =	vmul.f32 $1.442695020e+00, v42  }
0x199: {  	v46 =	vsub.f32 $1.000000000e+00, v4;
	v4 =	vmul.f32 $1.024000000e+03, v4;
	[tilespmem:v23+s15+$0x0] =	vst.idx.add.f32.msk $0xffff, v7;
	v52 =	vsub.f32 $1.000000000e+00, v41  }
0x19a: {  	vm14 =	vgt.f32 v42, $0.0e+00;
	v5 =	vtrunc.f32 v5;
	v60 =	vmul.f32 v61, v39;
	[tilespmem:v10+s15+$0x0] =	vst.idx.add.f32.msk $0xffff, v27  }
0x19b: {  	v7 =	vsub.f32 $1.000000000e+00, v53;
	v61 =	vmul.f32 $1.442695020e+00, v37;
	v24 =	vmul.f32 $1.442695020e+00, v52;
	v10 =	vld [tilespmem:$0x1FD90]  }
0x19c: {  	[tilespmem:v30+s15+$0x0] =	vst.idx.add.f32.msk $0xffff, v18;
	v40 =	vsub.f32 $1.000000000e+00, v2;
	v2 =	vmul.f32 $1.024000000e+03, v2;
	v30 =	vmul.f32 $1.442695020e+00, v31  }
0x19d: {  	v33 =	vld [tilespmem:$0x1FE40];
	v4 =	vadd.f32 $8.192000000e+03, v4;
	v63 =	vmul.f32 $1.442695020e+00, v7;
	(erf) = vpow2.f32 v24  }
0x19e: {  	vm3 =	vgt.f32 v31, $0.0e+00;
	v25 =	vmul.f32 $1.442695020e+00, v40;
	(erf) = vpow2.f32 v30  }
0x19f: {  	vm0 =	vgt.f32 v46, $0.0e+00;
	v54 =	vmul.f32 $1.442695020e+00, v34;
	(erf) = vpow2.f32 v43  }
0x1a0: {  	v18 =	vsub.f32 $1.000000000e+00, v0;
	v0 =	vmul.f32 $1.024000000e+03, v0;
	(erf) = vpow2.f32 v44;
	[tilespmem:v11+s15+$0x0] =	vst.idx.add.f32.msk $0xffff, v10  }
0x1a1: {  	v39 =	vsub.f32 $1.000000000e+00, v60;
	v4 =	vtrunc.f32 v4;
	(erf) = vpow2.f32 v54;
	v10 =	vld [tilespmem:$0x1FDB0]  }
0x1a2: {  	v31 =	vshll.u32 v33, $0xE;
	v12 =	vmul.f32 $1.442695020e+00, v18;
	(erf) = vpow2.f32 v58  }
0x1a3: {  	v2 =	vadd.f32 $8.192000000e+03, v2;
	v23 =	vmul.f32 $1.442695020e+00, v39;
	(erf) = vpow2.f32 v61  }
0x1a4: {  	v1 =	vadd.f32 $4.097000000e+03, v7;
	v30 =	vmul.f32 $1.024000000e+03, v59;
	(erf) = vpow2.f32 v51  }
0x1a5: {  	v32 =	vld [tilespmem:$0x1FE30];
	v0 =	vadd.f32 $8.192000000e+03, v0;
	v2 =	vtrunc.f32 v2;
	(erf) = vpow2.f32 v63  }
0x1a6: {  	[tilespmem:v6+s15+$0x0] =	vst.idx.add.f32.msk $0xffff, v10;
	v6 =	vadd.f32 $8.192000000e+03, v30;
	v30 =	vmul.f32 $1.024000000e+03, v62;
	v62 =	vpop (erf);
	(erf) = vpow2.f32 v50  }
0x1a7: {  	vm10 =	vgt.f32 v7, $0.0e+00;
	v14 =	vmul.f32 $1.442695020e+00, v46;
	v50 =	vpop (erf);
	(erf) = vpow2.f32 v12  }
0x1a8: {  	[tilespmem:v49+s15+$0x0] =	vst.idx.add.f32.msk $0xffff, v17;
	vm1 =	vgt.f32 v40, $0.0e+00;
	v0 =	vtrunc.f32 v0;
	v49 =	vpop (erf);
	(erf) = vpow2.f32 v23  }
0x1a9: {  	[tilespmem:v45+s15+$0x0] =	vst.idx.add.f32.msk $0xffff, v28;
	vm12 =	vgt.f32 v18, $0.0e+00;
	v28 =	vmul.f32 $1.024000000e+03, v41;
	v51 =	vpop (erf);
	(erf) = vpow2.f32 v13  }
0x1aa: {  	vm13 =	vgt.f32 v39, $0.0e+00;
	v61 =	vmul.f32 $1.024000000e+03, v53;
	v53 =	vpop (erf);
	(erf) = vpow2.f32 v25  }
0x1ab: {  	v32 =	vshll.u32 v32, $0xE;
	v21 =	vadd.f32 $4.097000000e+03, v52;
	v28 =	vadd.f32 $8.192000000e+03, v28;
	v45 =	vpop (erf)  }
0x1ac: {  	v59 =	vmul.f32 $1.024000000e+03, v56;
	v27 =	vadd.f32 $4.097000000e+03, v36;
	v36 =	vld [tilespmem:$0x1FDE0];
	(erf) = vpow2.f32 v14;
	v13 =	vpop (erf)  }
0x1ad: {  	vm2 =	vgt.f32 v52, $0.0e+00;
	v52 =	vadd.f32 $4.097000000e+03, v40;
	v24 =	vadd.f32 $4.097000000e+03, v37;
	v14 =	vpop (erf)  }
0x1ae: {  	v41 =	vadd.f32 $8.192000000e+03, v59;
	v11 =	vmul.f32 $1.024000000e+03, v57;
	v63 =	vmul.f32 $1.024000000e+03, v55;
	v57 =	vpop (erf)  }
0x1af: {  	v28 =	vtrunc.f32 v28;
	v43 =	vadd.f32 $8.192000000e+03, v61;
	v30 =	vadd.f32 $8.192000000e+03, v30;
	v44 =	vpop (erf)  }
0x1b0: {  	v54 =	vtrunc.f32 v41;
	v23 =	vadd.f32 $8.192000000e+03, v63;
	v63 =	vadd.f32 $4.096000000e+03, v50;
	v50 =	vpop (erf)  }
0x1b1: {  	v34 =	vshll.u32 v36, $0xE;
	v12 =	vadd.f32 $8.192000000e+03, v11;
	v19 =	vadd.f32 $4.096000000e+03, v49;
	v49 =	vpop (erf)  }
0x1b2: {  	v37 =	vld [tilespmem:$0x1FE00];
	v55 =	vcvt.f32.s32 v4;
	v56 =	vtrunc.f32 v30;
	v17 =	vadd.f32 $4.096000000e+03, v51;
	v47 =	vpop (erf)  }
0x1b3: {  	v51 =	vtrunc.f32 v12;
	v30 =	vcvt.f32.s32 v28;
	v28 =	vadd.f32 $4.096000000e+03, v45;
	v59 =	vpop (erf)  }
0x1b4: {  	v45 =	vadd.f32 $4.096000000e+03, v59;
	v59 =	vcvt.f32.s32 v51;
	v51 =	vadd.f32 $4.097000000e+03, v46;
	v46 =	vld [tilespmem:$0x1FE20]  }
0x1b5: {  	v10 =	vmul.f32 $1.024000000e+03, v60;
	v23 =	vtrunc.f32 v23;
	v11 =	vadd.f32 $4.096000000e+03, v47;
	v60 =	vpop (erf)  }
0x1b6: {  	v47 =	vadd.f32 $4.096000000e+03, v60;
	v60 =	vcvt.f32.s32 v23;
	v23 =	vadd.f32 $4.097000000e+03, v42;
	v42 =	vld [tilespmem:$0x1FE10]  }
0x1b7: {  	v36 =	vshll.u32 v37, $0xE;
	v58 =	vtrunc.f32 v43;
	v43 =	vcvt.f32.s32 v54  }
0x1b8: {  	v54 =	vcvt.f32.s32 v58;
	v58 =	vcvt.f32.s32 v0;
	v62 =	vadd.f32 $4.096000000e+03, v62  }
0x1b9: {  	v6 =	vtrunc.f32 v6;
	v25 =	vadd.f32 $8.192000000e+03, v10;
	v35 =	vshll.u32 v46, $0xE;
	v46 =	vld [tilespmem:$0x1FE60]  }
0x1ba: {  	v0 =	vadd.f32 $4.097000000e+03, v39;
	v41 =	vcvt.f32.s32 v6;
	v33 =	vsel vm2, v21, v62;
	v62 =	vld [tilespmem:$0x1FE90]  }
0x1bb: {  	v53 =	vadd.f32 $4.096000000e+03, v53;
	v25 =	vtrunc.f32 v25;
	v37 =	vshll.u32 v42, $0xE;
	v42 =	vld [tilespmem:$0x1FE50]  }
0x1bc: {  	v20 =	vsel vm5, v20, v17;
	v16 =	vadd.f32 $4.096000000e+03, v13;
	v61 =	vcvt.f32.s32 v25  }
0x1bd: {  	v14 =	vadd.f32 $4.096000000e+03, v14;
	v12 =	vadd.f32 $4.096000000e+03, v44;
	v44 =	vcvt.f32.s32 v56  }
0x1be: {  	v56 =	vcvt.f32.s32 v5;
	v10 =	vadd.f32 $4.096000000e+03, v49;
	v5 =	vshll.u32 v46, $0xE;
	v46 =	vld [tilespmem:$0x1FE80]  }
0x1bf: {  	s23 =	sadd.s32 $0x100, s23;
	v49 =	vcvt.f32.s32 v29;
	v29 =	vadd.f32 $4.097000000e+03, v18;
	v18 =	vsel vm3, v62, v63;
	v63 =	vld [tilespmem:$0x1FEA0]  }
0x1c0: {  	p0 =	slt.u32 s23, $0x3F00;
	v15 =	vadd.f32 $4.096000000e+03, v57;
	v57 =	vcvt.f32.s32 v2;
	v4 =	vshll.u32 v42, $0xE;
	v42 =	vld [tilespmem:$0x1FE70]  }
.Ltmp2:
0x1c1: {  	v13 =	vadd.f32 $4.096000000e+03, v50;
	v50 =	vcvt.f32.s32 v3;
	v3 =	vadd.f32 $4.097000000e+03, v38;
	(pc) =	sbr.rel @p0 .LBB2_7-.Ltmp2, $4  }
0x1c2: {  	v21 =	vsel vm8, v24, v16;
	v24 =	vsel vm9, v27, v14;
	v17 =	vsel vm10, v1, v15  }
0x1c3: {  	v40 =	vld [tilespmem:$0x1FDF0];
	v25 =	vsel vm11, v3, v12;
	v27 =	vsel vm14, v23, v11;
	v6 =	vshll.u32 v46, $0xE  }
0x1c4: {  	v39 =	vld [tilespmem:$0x1FDD0];
	v46 =	vsel vm4, v63, v19;
	v19 =	vsel vm6, v22, v53;
	v22 =	vsel vm7, v26, v28  }
0x1c5: {  	s24 =	sadd.s32 $0x100, s24;
	[tilespmem:$0x1FEB0] =	vst v33;
	v38 =	vld [tilespmem:$0x1FDC0];
	v26 =	vsel vm12, v29, v13;
	v28 =	vsel vm13, v0, v10;
	v7 =	vshll.u32 v42, $0xE  }
0x1c6: {  	v3 =	vadd.s32 v44, v34  }
0x1c7: {  	v10 =	vadd.s32 v48, v36  }
0x1c8: {  	v11 =	vadd.s32 v50, v37  }
0x1c9: {  	v50 =	vadd.s32 v49, v35  }
0x1ca: {  	v12 =	vld [tilespmem:$0x1FEB0];
	v53 =	vadd.s32 v56, v32  }
0x1cb: {  	v54 =	vadd.s32 v54, v31;
	[tilespmem:v3+s15+$0x0] =	vst.idx.add.f32.msk $0xffff, v20  }
0x1cc: {  	v56 =	vadd.s32 v60, v4;
	[tilespmem:v10+s15+$0x0] =	vst.idx.add.f32.msk $0xffff, v19  }
0x1cd: {  	v58 =	vadd.s32 v58, v8;
	[tilespmem:v11+s15+$0x0] =	vst.idx.add.f32.msk $0xffff, v22  }
0x1ce: {  	v5 =	vadd.s32 v61, v5;
	[tilespmem:v50+s15+$0x0] =	vst.idx.add.f32.msk $0xffff, v21  }
0x1cf: {  	v59 =	vadd.s32 v59, v9;
	[tilespmem:v53+s15+$0x0] =	vst.idx.add.f32.msk $0xffff, v24  }
0x1d0: {  	v60 =	vadd.s32 v57, v7;
	[tilespmem:v54+s15+$0x0] =	vst.idx.add.f32.msk $0xffff, v17  }
0x1d1: {  	v61 =	vadd.s32 v55, v6;
	[tilespmem:v56+s15+$0x0] =	vst.idx.add.f32.msk $0xffff, v25  }
0x1d2: {  	v0 =	vadd.s32 v30, v40;
	[tilespmem:v58+s15+$0x0] =	vst.idx.add.f32.msk $0xffff, v26  }
0x1d3: {  	s21 =	sadd.s32 $0x1, s21;
	v1 =	vadd.s32 v41, v39;
	[tilespmem:v5+s15+$0x0] =	vst.idx.add.f32.msk $0xffff, v28  }
0x1d4: {  	v62 =	vsel vm1, v52, v45;
	p0 =	sne.s32 s21, $0x4;
	v2 =	vadd.s32 v43, v38;
	[tilespmem:v59+s15+$0x0] =	vst.idx.add.f32.msk $0xffff, v27  }
.Ltmp3:
0x1d5: {  	v63 =	vsel vm0, v51, v47;
	[tilespmem:v60+s15+$0x0] =	vst.idx.add.f32.msk $0xffff, v62;
	(pc) =	sbr.rel @p0 .LBB2_4-.Ltmp3, $4  }
0x1d6: {  	[tilespmem:v61+s15+$0x0] =	vst.idx.add.f32.msk $0xffff, v63  }
0x1d7: {  	[tilespmem:v0+s15+$0x0] =	vst.idx.add.f32.msk $0xffff, v12  }
0x1d8: {  	[tilespmem:v1+s15+$0x0] =	vst.idx.add.f32.msk $0xffff, v18  }
0x1d9: {  	[tilespmem:v2+s15+$0x0] =	vst.idx.add.f32.msk $0xffff, v46  }
0x1da: {  	s20 =	sadd.s32 $0x1, s20  }
0x1db: {  	p0 =	sne.s32 s20, s10  }
.Ltmp4:
0x1dc: {  	_ = 	snop;
	(pc) =	sbr.rel @p0 .LBB2_1-.Ltmp4, $4  }
0x1dd: {  	[hbm4b:s9+s17] =	stream.strided.scatter [tilespmem:s15], [sflag:$0x3], $0x8000, s18, s17, $0x38;
	[tilespmem:$0x18000] =	vst v63  }
0x1de: {  	_ =	swait.ge [sflag:s19], $0x8000  }
0x1df: {  	[sflag:s19] =	ssyncset.done $0x0  }
0x1e0: {  	v0 =	vimm.f32 $0.0e+00;
	[sflag:s19] =	ssyncadd.s32 $0xFFFF8000  }
0x1e1: {  	_ =	sfence.sel $0x180000  }
0x1e2: {  	[bflag:$0x0] =	sbarrier.arrive $0xFFFF  }
0x1e3: {  	p0 =	sne.s32 s3, $0x0;
	_ =	strace $0x90000047  }
0x1e4: {  	s0 =	sadd.s32 @!p0 $0x100000, s0;
	[bflag:$0x2] =	sbarrier.arrive $0xFFFF  }
0x1e5: {  	[sflag:s0] =	ssyncadd.tile.s32 @!p0 $0x1;
	_ =	shalt  }
.Lfunc_end2:
_tile_overlayer_lowered:
.L_overlay_start_2:
0x1e6: {  	(tag) =	ssettag $0x2  }
0x1e7: {  	s0 =	rddreg [dreg:$0x0];
	s2 =	stileid.u32  }
0x1e8: {  	s1 =	rddreg [dreg:$0x1];
	p0 =	sne.s32 s2, $0x0  }
0x1e9: {  	s3 =	rddreg [dreg:$0x2];
	[bflag:$0x3] =	sbarrier.arrive $0xFFFF;
	s2 =	simm.s32 @!p0 $0x1C03  }
0x1ea: {  	[timem:s3], [sflag:s2] =	dma.local @!p0 [hbm:s0], s1  }
0x1eb: {  	s0 =	simm.s32 @!p0 $0x3  }
0x1ec: {  	_ =	swait.ge @!p0 [sflag:s0], s1  }
0x1ed: {  	s1 =	ssub.s32 @!p0 $0x0, s1;
	[sflag:s0] =	ssyncset.done @!p0 $0x0  }
0x1ee: {  	[sflag:s0] =	ssyncadd.s32 @!p0 s1  }
0x1ef: {  	[bflag:$0x3] =	sbarrier.arrive $0xFFFF  }
0x1f0: {  	_ =	shalt  }

</sc_bundles>
